<compile_context>
chip_gen: v7x
topology: tpu7x:2x2x1
jax: 0.10.2.dev20260603
libtpu: 0.0.44.dev20260713+nightly
codegen_flags: <defaults>
</compile_context>

<pallas_src>
import functools

import jax
import jax.numpy as jnp
from jax import lax
from jax.experimental import pallas as pl
from jax.experimental.pallas import tpu as pltpu
from jax.experimental.pallas import tpu_sc as plsc

N = 10000
E = 160000
D = 128
NC = 2
NS = 16
NW = NC * NS
EPW = E // NW
CH = 128
NB = 2
NCHK = (EPW + CH - 1) // CH
EPW_PAD = NCHK * CH
DEG_PAD = ((EPW + 15) // 16) * 16
NPAD = 10240
RPW = NPAD // NS

@functools.lru_cache(maxsize=1)
def _mesh():
    return plsc.VectorSubcoreMesh(
        core_axis_name="c", subcore_axis_name="s", num_cores=NC, num_subcores=NS
    )


def _zv():
    return jnp.zeros((16,), jnp.float32)


def _deg_body(dstp_hbm, out_hbm, dst_v, deg_v):
    c = lax.axis_index("c")
    s = lax.axis_index("s")
    w = s * NC + c
    pltpu.sync_copy(dstp_hbm.at[w], dst_v)

    def zero(i, carry):
        deg_v[pl.ds(i * 16, 16)] = _zv()
        return carry

    lax.fori_loop(0, (N + 16) // 16, zero, 0)
    ones = jnp.full((16,), 1.0, jnp.float32)

    def add(i, carry):
        idx = dst_v[pl.ds(i * 16, 16)]
        plsc.addupdate_scatter(deg_v, [idx], ones)
        return carry

    lax.fori_loop(0, DEG_PAD // 16, add, 0)
    pltpu.sync_copy(deg_v, out_hbm.at[w])


@functools.lru_cache(maxsize=1)
def _deg_call():
    return pl.kernel(
        _deg_body,
        out_type=jax.ShapeDtypeStruct((NW, N + 16), jnp.float32),
        mesh=_mesh(),
        scratch_types=[
            pltpu.VMEM((DEG_PAD,), jnp.int32),
            pltpu.VMEM((N + 16,), jnp.float32),
        ],
        compiler_params=pltpu.CompilerParams(needs_layout_passes=False),
    )


def _pre_body(degs_ref, x_ref, Wc_ref, hp_ref, dinv_ref):
    d = jnp.sum(degs_ref[...], axis=1, keepdims=True) + 1.0
    dinv = lax.rsqrt(d)
    dinv_ref[...] = dinv
    h = jnp.dot(x_ref[...], Wc_ref[...], preferred_element_type=jnp.float32)
    hp_ref[...] = h * dinv


def _prescale(degs_t, x, Wc, bn=2000):
    grid = N // bn
    return pl.pallas_call(
        _pre_body,
        grid=(grid,),
        in_specs=[
            pl.BlockSpec((bn, NW), lambda i: (i, 0)),
            pl.BlockSpec((bn, D), lambda i: (i, 0)),
            pl.BlockSpec((D, D), lambda i: (0, 0)),
        ],
        out_specs=[
            pl.BlockSpec((bn, D), lambda i: (i, 0)),
            pl.BlockSpec((bn, 1), lambda i: (i, 0)),
        ],
        out_shape=[
            jax.ShapeDtypeStruct((N, D), jnp.float32),
            jax.ShapeDtypeStruct((N, 1), jnp.float32),
        ],
    )(degs_t, x, Wc)


def _agg_body(srcp_hbm, dstp_hbm, xp_hbm, s_hbm, src_v, dst_v, rows_v, acc,
              *sems):
    gsem = sems[:NB]
    ssem = sems[NB:]
    c = lax.axis_index("c")
    s = lax.axis_index("s")
    w = s * NC + c
    pltpu.sync_copy(srcp_hbm.at[w], src_v)
    pltpu.sync_copy(dstp_hbm.at[w], dst_v)

    def zero(r, carry):
        for j in range(D // 16):
            rows_v[0, r, pl.ds(j * 16, 16)] = _zv()
        return carry

    lax.fori_loop(0, CH, zero, 0)
    for j in range(RPW // CH):
        pltpu.sync_copy(rows_v.at[0], acc.at[pl.ds(s * RPW + j * CH, CH)])
    plsc.subcore_barrier()

    for b in range(NB):
        pltpu.async_copy(xp_hbm.at[src_v.at[b]], rows_v.at[b], gsem[b])

    def group(gi, carry):
        base = gi * NB
        for b in range(NB):
            pltpu.make_async_copy(xp_hbm.at[src_v.at[base + b]],
                                  rows_v.at[b], gsem[b]).wait()
            pltpu.async_copy(rows_v.at[b], acc.at[dst_v.at[base + b]],
                             ssem[b], add=True)
        nxt = base + NB

        @pl.when(nxt < NCHK)
        def _():
            for b in range(NB):
                pltpu.make_async_copy(rows_v.at[b],
                                      acc.at[dst_v.at[base + b]],
                                      ssem[b]).wait()
                pltpu.async_copy(xp_hbm.at[src_v.at[nxt + b]], rows_v.at[b],
                                 gsem[b])

        @pl.when(nxt >= NCHK)
        def _():
            for b in range(NB):
                pltpu.make_async_copy(rows_v.at[b],
                                      acc.at[dst_v.at[base + b]],
                                      ssem[b]).wait()

        return carry

    lax.fori_loop(0, NCHK // NB, group, 0)
    plsc.subcore_barrier()
    pltpu.sync_copy(
        acc.at[pl.ds(s * RPW, RPW)], s_hbm.at[pl.ds(c * NPAD + s * RPW, RPW)]
    )


@functools.lru_cache(maxsize=1)
def _agg_call():
    return pl.kernel(
        _agg_body,
        out_type=jax.ShapeDtypeStruct((NC * NPAD, D), jnp.float32),
        mesh=_mesh(),
        scratch_types=[
            pltpu.VMEM((NCHK, CH), jnp.int32),
            pltpu.VMEM((NCHK, CH), jnp.int32),
            pltpu.VMEM((NB, CH, D), jnp.float32),
            pltpu.VMEM_SHARED((NPAD, D), jnp.float32),
        ] + [pltpu.SemaphoreType.DMA] * (2 * NB),
        compiler_params=pltpu.CompilerParams(needs_layout_passes=False),
    )


def _b1_body(S_ref, hp_ref, dinv_ref, bc_ref, Wl_ref, bl_ref,
             ne2_ref, colsum_ref):
    i = pl.program_id(0)
    ssum = S_ref[0] + S_ref[1] + hp_ref[...]
    ne = jnp.maximum(dinv_ref[...] * ssum + bc_ref[...], 0.0)
    ne2 = jnp.maximum(
        jnp.dot(ne, Wl_ref[...], preferred_element_type=jnp.float32)
        + bl_ref[...], 0.0)
    ne2_ref[...] = ne2
    part = jnp.sum(ne2, axis=0, keepdims=True)

    @pl.when(i == 0)
    def _():
        colsum_ref[...] = part

    @pl.when(i > 0)
    def _():
        colsum_ref[...] = colsum_ref[...] + part


def _dense1(S3, hp, dinv, bc, Wl, bl, bn=2000):
    grid = N // bn
    return pl.pallas_call(
        _b1_body,
        grid=(grid,),
        in_specs=[
            pl.BlockSpec((NC, bn, D), lambda i: (0, i, 0)),
            pl.BlockSpec((bn, D), lambda i: (i, 0)),
            pl.BlockSpec((bn, 1), lambda i: (i, 0)),
            pl.BlockSpec((1, D), lambda i: (0, 0)),
            pl.BlockSpec((D, D), lambda i: (0, 0)),
            pl.BlockSpec((1, D), lambda i: (0, 0)),
        ],
        out_specs=[
            pl.BlockSpec((bn, D), lambda i: (i, 0)),
            pl.BlockSpec((1, D), lambda i: (0, 0)),
        ],
        out_shape=[
            jax.ShapeDtypeStruct((N, D), jnp.float32),
            jax.ShapeDtypeStruct((1, D), jnp.float32),
        ],
    )(S3, hp, dinv, bc, Wl, bl)


def _b2_body(ne2_ref, Wtop_ref, Wbot_ref, bm_ref, colsum_ref, tcol_ref,
             Wout_ref, bo_ref, q_ref):
    g = colsum_ref[...] * (1.0 / N)
    cvec = jnp.dot(g, Wbot_ref[...], preferred_element_type=jnp.float32) \
        + bm_ref[...]
    h = jnp.maximum(
        jnp.dot(ne2_ref[...], Wtop_ref[...], preferred_element_type=jnp.float32)
        + cvec, 0.0)
    raw = jnp.dot(h, Wout_ref[...], preferred_element_type=jnp.float32) \
        + bo_ref[...]
    q_ref[...] = jnp.dot(raw, tcol_ref[...], preferred_element_type=jnp.float32)


def _dense2(ne2, Wtop, Wbot, bm, colsum, tcol, Wout, bo, bn=2000):
    grid = N // bn
    return pl.pallas_call(
        _b2_body,
        grid=(grid,),
        in_specs=[
            pl.BlockSpec((bn, D), lambda i: (i, 0)),
            pl.BlockSpec((D, D), lambda i: (0, 0)),
            pl.BlockSpec((D, D), lambda i: (0, 0)),
            pl.BlockSpec((1, D), lambda i: (0, 0)),
            pl.BlockSpec((1, D), lambda i: (0, 0)),
            pl.BlockSpec((D, 1), lambda i: (0, 0)),
            pl.BlockSpec((D, D), lambda i: (0, 0)),
            pl.BlockSpec((1, D), lambda i: (0, 0)),
        ],
        out_specs=pl.BlockSpec((bn, 1), lambda i: (i, 0)),
        out_shape=jax.ShapeDtypeStruct((N, 1), jnp.float32),
    )(ne2, Wtop, Wbot, bm, colsum, tcol, Wout, bo)


def kernel(x, edge_index, target_node, W_conv2, b_conv2, W_lin1, b_lin1,
           W_mlp, b_mlp, W_out, b_out):
    src = edge_index[0]
    dst = edge_index[1]

    dst2 = dst.reshape(NW, EPW)
    dstd = jnp.pad(dst2, ((0, 0), (0, DEG_PAD - EPW)), constant_values=N)
    srcp = jnp.pad(src.reshape(NW, EPW), ((0, 0), (0, EPW_PAD - EPW)),
                   constant_values=0).reshape(NW, NCHK, CH)
    dstp = jnp.pad(dst2, ((0, 0), (0, EPW_PAD - EPW)),
                   constant_values=N).reshape(NW, NCHK, CH)

    degs = _deg_call()(dstd)
    hp, dinv = _prescale(degs[:, :N].T, x, W_conv2)
    s_flat = _agg_call()(srcp, dstp, hp)
    S3 = s_flat.reshape(NC, NPAD, D)

    ne2, colsum = _dense1(S3, hp, dinv, b_conv2.reshape(1, D),
                          W_lin1, b_lin1.reshape(1, D))
    tcol = lax.dynamic_slice(ne2, (target_node, 0), (1, D)).reshape(D, 1)
    q = _dense2(ne2, W_mlp[:D], W_mlp[D:], b_mlp.reshape(1, D), colsum,
                tcol, W_out, b_out.reshape(1, D))
    return q

# --- scband reference (transcript-rebuilt; emitter-appended) ---
"""Pipeline reference for scband-qnet-node-16724602651190 (READ-ONLY COPY).

The authoritative reference and input builder live on the scoring server;
editing this copy changes nothing except your own understanding.
"""

import jax, jax.numpy as jnp
import numpy as np

N = 10000
E = 160000
D = 128
H = 128


def gcn_conv(x, edge_index, W, b):
    n = x.shape[0]
    src = edge_index[0]
    dst = edge_index[1]
    loop = jnp.arange(n, dtype=src.dtype)
    src = jnp.concatenate([src, loop])
    dst = jnp.concatenate([dst, loop])
    deg = jnp.zeros((n,), x.dtype).at[dst].add(1.0)
    dinv = jnp.where(deg > 0, 1.0 / jnp.sqrt(jnp.maximum(deg, 1e-12)), 0.0)
    norm = dinv[src] * dinv[dst]
    h = x @ W
    msgs = h[src] * norm[:, None]
    out = jnp.zeros_like(h).at[dst].add(msgs)
    return out + b


def setup_inputs(seed: int = 0):
    key = jax.random.key(seed)
    ks = jax.random.split(key, 10)
    s = 1.0 / np.sqrt(D)
    return {
        "x": jax.random.normal(ks[0], (N, D), dtype=jnp.float32),
        "edge_index": jax.random.randint(ks[1], (2, E), 0, N, dtype=jnp.int32),
        "target_node": 5,
        "W_conv2": jax.random.normal(ks[2], (D, D), dtype=jnp.float32) * s,
        "b_conv2": jnp.zeros((D,), jnp.float32),
        "W_lin1": jax.random.normal(ks[3], (D, D), dtype=jnp.float32) * s,
        "b_lin1": jnp.zeros((D,), jnp.float32),
        "W_mlp": jax.random.normal(ks[4], (2 * D, H), dtype=jnp.float32) * (1.0 / np.sqrt(2 * D)),
        "b_mlp": jnp.zeros((H,), jnp.float32),
        "W_out": jax.random.normal(ks[5], (H, D), dtype=jnp.float32) * (1.0 / np.sqrt(H)),
        "b_out": jnp.zeros((D,), jnp.float32),
    }


def reference(x, edge_index, target_node, W_conv2, b_conv2, W_lin1, b_lin1, W_mlp, b_mlp, W_out, b_out):
    # GCNConv(embed_dim, embed_dim) on perturbed edges, then ReLU
    node_embed = jax.nn.relu(gcn_conv(x, edge_index, W_conv2, b_conv2))
    # self.lin1: Linear(128,128) + ReLU
    node_embed = jax.nn.relu(node_embed @ W_lin1 + b_lin1)
    # target_embed = node_embed[target].view(-1, 1)
    target_embed = node_embed[target_node].reshape(-1, 1)
    # region is None -> all nodes; graph_embed = mean, repeated (actions is None)
    graph_embed = jnp.mean(node_embed, axis=0, keepdims=True)
    graph_embed = jnp.broadcast_to(graph_embed, (node_embed.shape[0], graph_embed.shape[1]))
    embed_s_a = jnp.concatenate([node_embed, graph_embed], axis=1)
    # mlp_hidden path
    h = jax.nn.relu(embed_s_a @ W_mlp + b_mlp)
    raw_pred = h @ W_out + b_out
    # bilin_q: raw_pred @ target_embed -> per-node Q values [N, 1]
    q = raw_pred @ target_embed
    return q

if __name__ == "__main__":
    import jax
    _d = setup_inputs()
    print(jax.jit(kernel)(*tuple(_d.values())))

</pallas_src>

<mosaic_0001>
#map = affine_map<(d0, d1) -> (0, 0)>
module attributes {stable_mosaic.version = 14 : i64} {
  func.func @_deg_body(%arg0: i32, %arg1: i32, %arg2: memref<32x5008xi32, #tpu.memory_space<hbm>>, %arg3: memref<32x10016xf32, #tpu.memory_space<hbm>>, %arg4: memref<5008xi32, #tpu.memory_space<vmem>>, %arg5: memref<10016xf32, #tpu.memory_space<vmem>>) attributes {dimension_semantics = [#tpu.dimension_semantics<core_parallel>, #tpu.dimension_semantics<subcore_parallel>], iteration_bounds = array<i64: 2, 16>, scalar_prefetch = 0 : i64, scratch_operands = 2 : i64, tpu.core_type = #tpu.core_type<sc_vector_subcore>, window_params = [{transform_indices = #map}, {transform_indices = #map}]} {
    %mul3A = arith.constant 2 : i32
    %mul3A_0 = arith.muli %arg1, %mul3A : i32
    %add3A = arith.addi %mul3A_0, %arg0 : i32
    "tpu.region"() ({
      %run_scoped3A = tpu.sem_alloc : memref<!tpu.dma_semaphore, #tpu.memory_space<semaphore_mem>>
      %dma_start3A = arith.constant 0 : i32
      %dma_start3A_13 = tpu.memref_slice %arg2[%add3A, %dma_start3A] : memref<32x5008xi32, #tpu.memory_space<hbm>> -> memref<1x5008xi32, #tpu.memory_space<hbm>>
      %dma_start3A_14 = tpu.memref_squeeze %dma_start3A_13 : memref<1x5008xi32, #tpu.memory_space<hbm>> -> memref<5008xi32, #tpu.memory_space<hbm>>
      %dma_start3A_15 = arith.constant 0 : i32
      %dma_start3A_16 = tpu.memref_slice %arg2[%add3A, %dma_start3A_15] : memref<32x5008xi32, #tpu.memory_space<hbm>> -> memref<1x5008xi32, #tpu.memory_space<hbm>>
      %dma_start3A_17 = tpu.memref_squeeze %dma_start3A_16 : memref<1x5008xi32, #tpu.memory_space<hbm>> -> memref<5008xi32, #tpu.memory_space<hbm>>
      tpu.enqueue_dma source(%dma_start3A_17 : memref<5008xi32, #tpu.memory_space<hbm>>) target(%arg4 : memref<5008xi32, #tpu.memory_space<vmem>>) target_semaphore(%run_scoped3A : memref<!tpu.dma_semaphore, #tpu.memory_space<semaphore_mem>>)
      %dma_wait3A = arith.constant 0 : i32
      %dma_wait3A_18 = tpu.memref_slice %arg2[%add3A, %dma_wait3A] : memref<32x5008xi32, #tpu.memory_space<hbm>> -> memref<1x5008xi32, #tpu.memory_space<hbm>>
      %dma_wait3A_19 = tpu.memref_squeeze %dma_wait3A_18 : memref<1x5008xi32, #tpu.memory_space<hbm>> -> memref<5008xi32, #tpu.memory_space<hbm>>
      %dma_wait3A_20 = arith.constant 0 : i32
      %dma_wait3A_21 = tpu.memref_slice %arg2[%add3A, %dma_wait3A_20] : memref<32x5008xi32, #tpu.memory_space<hbm>> -> memref<1x5008xi32, #tpu.memory_space<hbm>>
      %dma_wait3A_22 = tpu.memref_squeeze %dma_wait3A_21 : memref<1x5008xi32, #tpu.memory_space<hbm>> -> memref<5008xi32, #tpu.memory_space<hbm>>
      tpu.wait_dma2 semaphore(%run_scoped3A : memref<!tpu.dma_semaphore, #tpu.memory_space<semaphore_mem>>) src(%dma_wait3A_22 : memref<5008xi32, #tpu.memory_space<hbm>>) dst(%arg4 : memref<5008xi32, #tpu.memory_space<vmem>>)
      tpu.yield
    }) : () -> ()
    %scan3A = arith.constant 0 : i32
    %scan3A_1 = arith.constant 0 : i32
    %scan3A_2 = arith.constant 626 : i32
    %scan3A_3 = arith.addi %scan3A_1, %scan3A_2 : i32
    %scan3A_4 = arith.constant 1 : i32
    scf.for %scan3A_13 = %scan3A_1 to %scan3A_3 step %scan3A_4  : i32 {
      %broadcast_in_dim3A_14 = arith.constant 0.000000e+00 : f32
      %broadcast_in_dim3A_15 = vector.broadcast %broadcast_in_dim3A_14 : f32 to vector<16xf32>
      %mul3A_16 = arith.constant 16 : i32
      %mul3A_17 = arith.muli %scan3A_13, %mul3A_16 : i32
      %swap3A = arith.index_cast %mul3A_17 : i32 to index
      %swap3A_18 = tpu.vector_load %arg5[%swap3A] {strides = array<i32>} : memref<10016xf32, #tpu.memory_space<vmem>>, vector<16xf32>,
      tpu.vector_store %arg5[%swap3A], %broadcast_in_dim3A_15 {strides = array<i32>} : memref<10016xf32, #tpu.memory_space<vmem>>, vector<16xf32>,
    }
    %scan3A_5 = arith.constant 626 : i32
    %broadcast_in_dim3A = arith.constant 1.000000e+00 : f32
    %broadcast_in_dim3A_6 = vector.broadcast %broadcast_in_dim3A : f32 to vector<16xf32>
    %scan3A_7 = arith.constant 0 : i32
    %scan3A_8 = arith.constant 0 : i32
    %scan3A_9 = arith.constant 313 : i32
    %scan3A_10 = arith.addi %scan3A_8, %scan3A_9 : i32
    %scan3A_11 = arith.constant 1 : i32
    scf.for %scan3A_13 = %scan3A_8 to %scan3A_10 step %scan3A_11  : i32 {
      %mul3A_14 = arith.constant 16 : i32
      %mul3A_15 = arith.muli %scan3A_13, %mul3A_14 : i32
      %get3A = arith.index_cast %mul3A_15 : i32 to index
      %get3A_16 = tpu.vector_load %arg4[%get3A] {strides = array<i32>} : memref<5008xi32, #tpu.memory_space<vmem>>, vector<16xi32>,
      tpu.vector_store_idx %arg5[%get3A_16], %broadcast_in_dim3A_6 {add = true} : memref<10016xf32, #tpu.memory_space<vmem>>[vector<16xi32>], vector<16xf32>,
    }
    %scan3A_12 = arith.constant 313 : i32
    "tpu.region"() ({
      %run_scoped3A = tpu.sem_alloc : memref<!tpu.dma_semaphore, #tpu.memory_space<semaphore_mem>>
      %dma_start3A = arith.constant 0 : i32
      %dma_start3A_13 = tpu.memref_slice %arg3[%add3A, %dma_start3A] : memref<32x10016xf32, #tpu.memory_space<hbm>> -> memref<1x10016xf32, #tpu.memory_space<hbm>>
      %dma_start3A_14 = tpu.memref_squeeze %dma_start3A_13 : memref<1x10016xf32, #tpu.memory_space<hbm>> -> memref<10016xf32, #tpu.memory_space<hbm>>
      %dma_start3A_15 = arith.constant 0 : i32
      %dma_start3A_16 = tpu.memref_slice %arg3[%add3A, %dma_start3A_15] : memref<32x10016xf32, #tpu.memory_space<hbm>> -> memref<1x10016xf32, #tpu.memory_space<hbm>>
      %dma_start3A_17 = tpu.memref_squeeze %dma_start3A_16 : memref<1x10016xf32, #tpu.memory_space<hbm>> -> memref<10016xf32, #tpu.memory_space<hbm>>
      tpu.enqueue_dma source(%arg5 : memref<10016xf32, #tpu.memory_space<vmem>>) target(%dma_start3A_17 : memref<10016xf32, #tpu.memory_space<hbm>>) target_semaphore(%run_scoped3A : memref<!tpu.dma_semaphore, #tpu.memory_space<semaphore_mem>>)
      %dma_wait3A = arith.constant 0 : i32
      %dma_wait3A_18 = tpu.memref_slice %arg3[%add3A, %dma_wait3A] : memref<32x10016xf32, #tpu.memory_space<hbm>> -> memref<1x10016xf32, #tpu.memory_space<hbm>>
      %dma_wait3A_19 = tpu.memref_squeeze %dma_wait3A_18 : memref<1x10016xf32, #tpu.memory_space<hbm>> -> memref<10016xf32, #tpu.memory_space<hbm>>
      %dma_wait3A_20 = arith.constant 0 : i32
      %dma_wait3A_21 = tpu.memref_slice %arg3[%add3A, %dma_wait3A_20] : memref<32x10016xf32, #tpu.memory_space<hbm>> -> memref<1x10016xf32, #tpu.memory_space<hbm>>
      %dma_wait3A_22 = tpu.memref_squeeze %dma_wait3A_21 : memref<1x10016xf32, #tpu.memory_space<hbm>> -> memref<10016xf32, #tpu.memory_space<hbm>>
      tpu.wait_dma2 semaphore(%run_scoped3A : memref<!tpu.dma_semaphore, #tpu.memory_space<semaphore_mem>>) src(%arg5 : memref<10016xf32, #tpu.memory_space<vmem>>) dst(%dma_wait3A_22 : memref<10016xf32, #tpu.memory_space<hbm>>)
      tpu.yield
    }) : () -> ()
    return
  }
}

#map = affine_map<(d0, d1) -> (0, 0, 0)>
#map1 = affine_map<(d0, d1) -> (0, 0)>
module attributes {stable_mosaic.version = 14 : i64} {
  func.func @_agg_body(%arg0: i32, %arg1: i32, %arg2: memref<32x40x128xi32, #tpu.memory_space<hbm>>, %arg3: memref<32x40x128xi32, #tpu.memory_space<hbm>>, %arg4: memref<10000x128xf32, #tpu.memory_space<hbm>>, %arg5: memref<20480x128xf32, #tpu.memory_space<hbm>>, %arg6: memref<40x128xi32, #tpu.memory_space<vmem>>, %arg7: memref<40x128xi32, #tpu.memory_space<vmem>>, %arg8: memref<2x128x128xf32, #tpu.memory_space<vmem>>, %arg9: memref<10240x128xf32, #tpu.memory_space<vmem_shared>>, %arg10: memref<!tpu.dma_semaphore, #tpu.memory_space<semaphore_mem>>, %arg11: memref<!tpu.dma_semaphore, #tpu.memory_space<semaphore_mem>>, %arg12: memref<!tpu.dma_semaphore, #tpu.memory_space<semaphore_mem>>, %arg13: memref<!tpu.dma_semaphore, #tpu.memory_space<semaphore_mem>>) attributes {dimension_semantics = [#tpu.dimension_semantics<core_parallel>, #tpu.dimension_semantics<subcore_parallel>], iteration_bounds = array<i64: 2, 16>, scalar_prefetch = 0 : i64, scratch_operands = 8 : i64, tpu.core_type = #tpu.core_type<sc_vector_subcore>, window_params = [{transform_indices = #map}, {transform_indices = #map}, {transform_indices = #map1}, {transform_indices = #map1}]} {
    %mul3A = arith.constant 2 : i32
    %mul3A_0 = arith.muli %arg1, %mul3A : i32
    %add3A = arith.addi %mul3A_0, %arg0 : i32
    "tpu.region"() ({
      %run_scoped3A_67 = tpu.sem_alloc : memref<!tpu.dma_semaphore, #tpu.memory_space<semaphore_mem>>
      %dma_start3A_68 = arith.constant 0 : i32
      %dma_start3A_69 = arith.constant 0 : i32
      %dma_start3A_70 = tpu.memref_slice %arg2[%add3A, %dma_start3A_68, %dma_start3A_69] : memref<32x40x128xi32, #tpu.memory_space<hbm>> -> memref<1x40x128xi32, #tpu.memory_space<hbm>>
      %dma_start3A_71 = tpu.memref_squeeze %dma_start3A_70 : memref<1x40x128xi32, #tpu.memory_space<hbm>> -> memref<40x128xi32, #tpu.memory_space<hbm>>
      %dma_start3A_72 = arith.constant 0 : i32
      %dma_start3A_73 = arith.constant 0 : i32
      %dma_start3A_74 = tpu.memref_slice %arg2[%add3A, %dma_start3A_72, %dma_start3A_73] : memref<32x40x128xi32, #tpu.memory_space<hbm>> -> memref<1x40x128xi32, #tpu.memory_space<hbm>>
      %dma_start3A_75 = tpu.memref_squeeze %dma_start3A_74 : memref<1x40x128xi32, #tpu.memory_space<hbm>> -> memref<40x128xi32, #tpu.memory_space<hbm>>
      tpu.enqueue_dma source(%dma_start3A_75 : memref<40x128xi32, #tpu.memory_space<hbm>>) target(%arg6 : memref<40x128xi32, #tpu.memory_space<vmem>>) target_semaphore(%run_scoped3A_67 : memref<!tpu.dma_semaphore, #tpu.memory_space<semaphore_mem>>)
      %dma_wait3A = arith.constant 0 : i32
      %dma_wait3A_76 = arith.constant 0 : i32
      %dma_wait3A_77 = tpu.memref_slice %arg2[%add3A, %dma_wait3A, %dma_wait3A_76] : memref<32x40x128xi32, #tpu.memory_space<hbm>> -> memref<1x40x128xi32, #tpu.memory_space<hbm>>
      %dma_wait3A_78 = tpu.memref_squeeze %dma_wait3A_77 : memref<1x40x128xi32, #tpu.memory_space<hbm>> -> memref<40x128xi32, #tpu.memory_space<hbm>>
      %dma_wait3A_79 = arith.constant 0 : i32
      %dma_wait3A_80 = arith.constant 0 : i32
      %dma_wait3A_81 = tpu.memref_slice %arg2[%add3A, %dma_wait3A_79, %dma_wait3A_80] : memref<32x40x128xi32, #tpu.memory_space<hbm>> -> memref<1x40x128xi32, #tpu.memory_space<hbm>>
      %dma_wait3A_82 = tpu.memref_squeeze %dma_wait3A_81 : memref<1x40x128xi32, #tpu.memory_space<hbm>> -> memref<40x128xi32, #tpu.memory_space<hbm>>
      tpu.wait_dma2 semaphore(%run_scoped3A_67 : memref<!tpu.dma_semaphore, #tpu.memory_space<semaphore_mem>>) src(%dma_wait3A_82 : memref<40x128xi32, #tpu.memory_space<hbm>>) dst(%arg6 : memref<40x128xi32, #tpu.memory_space<vmem>>)
      tpu.yield
    }) : () -> ()
    "tpu.region"() ({
      %run_scoped3A_67 = tpu.sem_alloc : memref<!tpu.dma_semaphore, #tpu.memory_space<semaphore_mem>>
      %dma_start3A_68 = arith.constant 0 : i32
      %dma_start3A_69 = arith.constant 0 : i32
      %dma_start3A_70 = tpu.memref_slice %arg3[%add3A, %dma_start3A_68, %dma_start3A_69] : memref<32x40x128xi32, #tpu.memory_space<hbm>> -> memref<1x40x128xi32, #tpu.memory_space<hbm>>
      %dma_start3A_71 = tpu.memref_squeeze %dma_start3A_70 : memref<1x40x128xi32, #tpu.memory_space<hbm>> -> memref<40x128xi32, #tpu.memory_space<hbm>>
      %dma_start3A_72 = arith.constant 0 : i32
      %dma_start3A_73 = arith.constant 0 : i32
      %dma_start3A_74 = tpu.memref_slice %arg3[%add3A, %dma_start3A_72, %dma_start3A_73] : memref<32x40x128xi32, #tpu.memory_space<hbm>> -> memref<1x40x128xi32, #tpu.memory_space<hbm>>
      %dma_start3A_75 = tpu.memref_squeeze %dma_start3A_74 : memref<1x40x128xi32, #tpu.memory_space<hbm>> -> memref<40x128xi32, #tpu.memory_space<hbm>>
      tpu.enqueue_dma source(%dma_start3A_75 : memref<40x128xi32, #tpu.memory_space<hbm>>) target(%arg7 : memref<40x128xi32, #tpu.memory_space<vmem>>) target_semaphore(%run_scoped3A_67 : memref<!tpu.dma_semaphore, #tpu.memory_space<semaphore_mem>>)
      %dma_wait3A = arith.constant 0 : i32
      %dma_wait3A_76 = arith.constant 0 : i32
      %dma_wait3A_77 = tpu.memref_slice %arg3[%add3A, %dma_wait3A, %dma_wait3A_76] : memref<32x40x128xi32, #tpu.memory_space<hbm>> -> memref<1x40x128xi32, #tpu.memory_space<hbm>>
      %dma_wait3A_78 = tpu.memref_squeeze %dma_wait3A_77 : memref<1x40x128xi32, #tpu.memory_space<hbm>> -> memref<40x128xi32, #tpu.memory_space<hbm>>
      %dma_wait3A_79 = arith.constant 0 : i32
      %dma_wait3A_80 = arith.constant 0 : i32
      %dma_wait3A_81 = tpu.memref_slice %arg3[%add3A, %dma_wait3A_79, %dma_wait3A_80] : memref<32x40x128xi32, #tpu.memory_space<hbm>> -> memref<1x40x128xi32, #tpu.memory_space<hbm>>
      %dma_wait3A_82 = tpu.memref_squeeze %dma_wait3A_81 : memref<1x40x128xi32, #tpu.memory_space<hbm>> -> memref<40x128xi32, #tpu.memory_space<hbm>>
      tpu.wait_dma2 semaphore(%run_scoped3A_67 : memref<!tpu.dma_semaphore, #tpu.memory_space<semaphore_mem>>) src(%dma_wait3A_82 : memref<40x128xi32, #tpu.memory_space<hbm>>) dst(%arg7 : memref<40x128xi32, #tpu.memory_space<vmem>>)
      tpu.yield
    }) : () -> ()
    %scan3A = arith.constant 0 : i32
    %scan3A_1 = arith.constant 0 : i32
    %scan3A_2 = arith.constant 128 : i32
    %scan3A_3 = arith.addi %scan3A_1, %scan3A_2 : i32
    %scan3A_4 = arith.constant 1 : i32
    scf.for %scan3A_67 = %scan3A_1 to %scan3A_3 step %scan3A_4  : i32 {
      %broadcast_in_dim3A = arith.constant 0.000000e+00 : f32
      %broadcast_in_dim3A_68 = vector.broadcast %broadcast_in_dim3A : f32 to vector<16xf32>
      %swap3A = arith.constant 0 : i32
      %swap3A_69 = arith.index_cast %swap3A : i32 to index
      %swap3A_70 = arith.index_cast %scan3A_67 : i32 to index
      %swap3A_71 = arith.constant 0 : index
      %swap3A_72 = tpu.vector_load %arg8[%swap3A_69, %swap3A_70, %swap3A_71] {strides = array<i32>} : memref<2x128x128xf32, #tpu.memory_space<vmem>>, vector<16xf32>,
      tpu.vector_store %arg8[%swap3A_69, %swap3A_70, %swap3A_71], %broadcast_in_dim3A_68 {strides = array<i32>} : memref<2x128x128xf32, #tpu.memory_space<vmem>>, vector<16xf32>,
      %broadcast_in_dim3A_73 = arith.constant 0.000000e+00 : f32
      %broadcast_in_dim3A_74 = vector.broadcast %broadcast_in_dim3A_73 : f32 to vector<16xf32>
      %swap3A_75 = arith.constant 0 : i32
      %swap3A_76 = arith.index_cast %swap3A_75 : i32 to index
      %swap3A_77 = arith.index_cast %scan3A_67 : i32 to index
      %swap3A_78 = arith.constant 16 : index
      %swap3A_79 = tpu.vector_load %arg8[%swap3A_76, %swap3A_77, %swap3A_78] {strides = array<i32>} : memref<2x128x128xf32, #tpu.memory_space<vmem>>, vector<16xf32>,
      tpu.vector_store %arg8[%swap3A_76, %swap3A_77, %swap3A_78], %broadcast_in_dim3A_74 {strides = array<i32>} : memref<2x128x128xf32, #tpu.memory_space<vmem>>, vector<16xf32>,
      %broadcast_in_dim3A_80 = arith.constant 0.000000e+00 : f32
      %broadcast_in_dim3A_81 = vector.broadcast %broadcast_in_dim3A_80 : f32 to vector<16xf32>
      %swap3A_82 = arith.constant 0 : i32
      %swap3A_83 = arith.index_cast %swap3A_82 : i32 to index
      %swap3A_84 = arith.index_cast %scan3A_67 : i32 to index
      %swap3A_85 = arith.constant 32 : index
      %swap3A_86 = tpu.vector_load %arg8[%swap3A_83, %swap3A_84, %swap3A_85] {strides = array<i32>} : memref<2x128x128xf32, #tpu.memory_space<vmem>>, vector<16xf32>,
      tpu.vector_store %arg8[%swap3A_83, %swap3A_84, %swap3A_85], %broadcast_in_dim3A_81 {strides = array<i32>} : memref<2x128x128xf32, #tpu.memory_space<vmem>>, vector<16xf32>,
      %broadcast_in_dim3A_87 = arith.constant 0.000000e+00 : f32
      %broadcast_in_dim3A_88 = vector.broadcast %broadcast_in_dim3A_87 : f32 to vector<16xf32>
      %swap3A_89 = arith.constant 0 : i32
      %swap3A_90 = arith.index_cast %swap3A_89 : i32 to index
      %swap3A_91 = arith.index_cast %scan3A_67 : i32 to index
      %swap3A_92 = arith.constant 48 : index
      %swap3A_93 = tpu.vector_load %arg8[%swap3A_90, %swap3A_91, %swap3A_92] {strides = array<i32>} : memref<2x128x128xf32, #tpu.memory_space<vmem>>, vector<16xf32>,
      tpu.vector_store %arg8[%swap3A_90, %swap3A_91, %swap3A_92], %broadcast_in_dim3A_88 {strides = array<i32>} : memref<2x128x128xf32, #tpu.memory_space<vmem>>, vector<16xf32>,
      %broadcast_in_dim3A_94 = arith.constant 0.000000e+00 : f32
      %broadcast_in_dim3A_95 = vector.broadcast %broadcast_in_dim3A_94 : f32 to vector<16xf32>
      %swap3A_96 = arith.constant 0 : i32
      %swap3A_97 = arith.index_cast %swap3A_96 : i32 to index
      %swap3A_98 = arith.index_cast %scan3A_67 : i32 to index
      %swap3A_99 = arith.constant 64 : index
      %swap3A_100 = tpu.vector_load %arg8[%swap3A_97, %swap3A_98, %swap3A_99] {strides = array<i32>} : memref<2x128x128xf32, #tpu.memory_space<vmem>>, vector<16xf32>,
      tpu.vector_store %arg8[%swap3A_97, %swap3A_98, %swap3A_99], %broadcast_in_dim3A_95 {strides = array<i32>} : memref<2x128x128xf32, #tpu.memory_space<vmem>>, vector<16xf32>,
      %broadcast_in_dim3A_101 = arith.constant 0.000000e+00 : f32
      %broadcast_in_dim3A_102 = vector.broadcast %broadcast_in_dim3A_101 : f32 to vector<16xf32>
      %swap3A_103 = arith.constant 0 : i32
      %swap3A_104 = arith.index_cast %swap3A_103 : i32 to index
      %swap3A_105 = arith.index_cast %scan3A_67 : i32 to index
      %swap3A_106 = arith.constant 80 : index
      %swap3A_107 = tpu.vector_load %arg8[%swap3A_104, %swap3A_105, %swap3A_106] {strides = array<i32>} : memref<2x128x128xf32, #tpu.memory_space<vmem>>, vector<16xf32>,
      tpu.vector_store %arg8[%swap3A_104, %swap3A_105, %swap3A_106], %broadcast_in_dim3A_102 {strides = array<i32>} : memref<2x128x128xf32, #tpu.memory_space<vmem>>, vector<16xf32>,
      %broadcast_in_dim3A_108 = arith.constant 0.000000e+00 : f32
      %broadcast_in_dim3A_109 = vector.broadcast %broadcast_in_dim3A_108 : f32 to vector<16xf32>
      %swap3A_110 = arith.constant 0 : i32
      %swap3A_111 = arith.index_cast %swap3A_110 : i32 to index
      %swap3A_112 = arith.index_cast %scan3A_67 : i32 to index
      %swap3A_113 = arith.constant 96 : index
      %swap3A_114 = tpu.vector_load %arg8[%swap3A_111, %swap3A_112, %swap3A_113] {strides = array<i32>} : memref<2x128x128xf32, #tpu.memory_space<vmem>>, vector<16xf32>,
      tpu.vector_store %arg8[%swap3A_111, %swap3A_112, %swap3A_113], %broadcast_in_dim3A_109 {strides = array<i32>} : memref<2x128x128xf32, #tpu.memory_space<vmem>>, vector<16xf32>,
      %broadcast_in_dim3A_115 = arith.constant 0.000000e+00 : f32
      %broadcast_in_dim3A_116 = vector.broadcast %broadcast_in_dim3A_115 : f32 to vector<16xf32>
      %swap3A_117 = arith.constant 0 : i32
      %swap3A_118 = arith.index_cast %swap3A_117 : i32 to index
      %swap3A_119 = arith.index_cast %scan3A_67 : i32 to index
      %swap3A_120 = arith.constant 112 : index
      %swap3A_121 = tpu.vector_load %arg8[%swap3A_118, %swap3A_119, %swap3A_120] {strides = array<i32>} : memref<2x128x128xf32, #tpu.memory_space<vmem>>, vector<16xf32>,
      tpu.vector_store %arg8[%swap3A_118, %swap3A_119, %swap3A_120], %broadcast_in_dim3A_116 {strides = array<i32>} : memref<2x128x128xf32, #tpu.memory_space<vmem>>, vector<16xf32>,
    }
    %scan3A_5 = arith.constant 128 : i32
    %mul3A_6 = arith.constant 640 : i32
    %mul3A_7 = arith.muli %arg1, %mul3A_6 : i32
    %add3A_8 = arith.constant 0 : i32
    %add3A_9 = arith.addi %mul3A_7, %add3A_8 : i32
    %run_scoped3A = arith.constant 0 : i32
    "tpu.region"() ({
      %run_scoped3A_67 = tpu.sem_alloc : memref<!tpu.dma_semaphore, #tpu.memory_space<semaphore_mem>>
      %dma_start3A_68 = arith.constant 0 : i32
      %dma_start3A_69 = arith.constant 0 : i32
      %dma_start3A_70 = tpu.memref_slice %arg8[%run_scoped3A, %dma_start3A_68, %dma_start3A_69] : memref<2x128x128xf32, #tpu.memory_space<vmem>> -> memref<1x128x128xf32, #tpu.memory_space<vmem>>
      %dma_start3A_71 = tpu.memref_squeeze %dma_start3A_70 : memref<1x128x128xf32, #tpu.memory_space<vmem>> -> memref<128x128xf32, #tpu.memory_space<vmem>>
      %dma_start3A_72 = arith.constant 0 : i32
      %dma_start3A_73 = tpu.memref_slice %arg9[%add3A_9, %dma_start3A_72] : memref<10240x128xf32, #tpu.memory_space<vmem_shared>> -> memref<128x128xf32, #tpu.memory_space<vmem_shared>>
      %dma_start3A_74 = arith.constant 0 : i32
      %dma_start3A_75 = tpu.memref_slice %arg9[%add3A_9, %dma_start3A_74] : memref<10240x128xf32, #tpu.memory_space<vmem_shared>> -> memref<128x128xf32, #tpu.memory_space<vmem_shared>>
      %dma_start3A_76 = arith.constant 0 : i32
      %dma_start3A_77 = arith.constant 0 : i32
      %dma_start3A_78 = tpu.memref_slice %arg8[%run_scoped3A, %dma_start3A_76, %dma_start3A_77] : memref<2x128x128xf32, #tpu.memory_space<vmem>> -> memref<1x128x128xf32, #tpu.memory_space<vmem>>
      %dma_start3A_79 = tpu.memref_squeeze %dma_start3A_78 : memref<1x128x128xf32, #tpu.memory_space<vmem>> -> memref<128x128xf32, #tpu.memory_space<vmem>>
      tpu.enqueue_dma source(%dma_start3A_79 : memref<128x128xf32, #tpu.memory_space<vmem>>) target(%dma_start3A_75 : memref<128x128xf32, #tpu.memory_space<vmem_shared>>) target_semaphore(%run_scoped3A_67 : memref<!tpu.dma_semaphore, #tpu.memory_space<semaphore_mem>>)
      %dma_wait3A = arith.constant 0 : i32
      %dma_wait3A_80 = arith.constant 0 : i32
      %dma_wait3A_81 = tpu.memref_slice %arg8[%run_scoped3A, %dma_wait3A, %dma_wait3A_80] : memref<2x128x128xf32, #tpu.memory_space<vmem>> -> memref<1x128x128xf32, #tpu.memory_space<vmem>>
      %dma_wait3A_82 = tpu.memref_squeeze %dma_wait3A_81 : memref<1x128x128xf32, #tpu.memory_space<vmem>> -> memref<128x128xf32, #tpu.memory_space<vmem>>
      %dma_wait3A_83 = arith.constant 0 : i32
      %dma_wait3A_84 = tpu.memref_slice %arg9[%add3A_9, %dma_wait3A_83] : memref<10240x128xf32, #tpu.memory_space<vmem_shared>> -> memref<128x128xf32, #tpu.memory_space<vmem_shared>>
      %dma_wait3A_85 = arith.constant 0 : i32
      %dma_wait3A_86 = tpu.memref_slice %arg9[%add3A_9, %dma_wait3A_85] : memref<10240x128xf32, #tpu.memory_space<vmem_shared>> -> memref<128x128xf32, #tpu.memory_space<vmem_shared>>
      %dma_wait3A_87 = arith.constant 0 : i32
      %dma_wait3A_88 = arith.constant 0 : i32
      %dma_wait3A_89 = tpu.memref_slice %arg8[%run_scoped3A, %dma_wait3A_87, %dma_wait3A_88] : memref<2x128x128xf32, #tpu.memory_space<vmem>> -> memref<1x128x128xf32, #tpu.memory_space<vmem>>
      %dma_wait3A_90 = tpu.memref_squeeze %dma_wait3A_89 : memref<1x128x128xf32, #tpu.memory_space<vmem>> -> memref<128x128xf32, #tpu.memory_space<vmem>>
      tpu.wait_dma2 semaphore(%run_scoped3A_67 : memref<!tpu.dma_semaphore, #tpu.memory_space<semaphore_mem>>) src(%dma_wait3A_90 : memref<128x128xf32, #tpu.memory_space<vmem>>) dst(%dma_wait3A_86 : memref<128x128xf32, #tpu.memory_space<vmem_shared>>)
      tpu.yield
    }) : () -> ()
    %mul3A_10 = arith.constant 640 : i32
    %mul3A_11 = arith.muli %arg1, %mul3A_10 : i32
    %add3A_12 = arith.constant 128 : i32
    %add3A_13 = arith.addi %mul3A_11, %add3A_12 : i32
    %run_scoped3A_14 = arith.constant 0 : i32
    "tpu.region"() ({
      %run_scoped3A_67 = tpu.sem_alloc : memref<!tpu.dma_semaphore, #tpu.memory_space<semaphore_mem>>
      %dma_start3A_68 = arith.constant 0 : i32
      %dma_start3A_69 = arith.constant 0 : i32
      %dma_start3A_70 = tpu.memref_slice %arg8[%run_scoped3A_14, %dma_start3A_68, %dma_start3A_69] : memref<2x128x128xf32, #tpu.memory_space<vmem>> -> memref<1x128x128xf32, #tpu.memory_space<vmem>>
      %dma_start3A_71 = tpu.memref_squeeze %dma_start3A_70 : memref<1x128x128xf32, #tpu.memory_space<vmem>> -> memref<128x128xf32, #tpu.memory_space<vmem>>
      %dma_start3A_72 = arith.constant 0 : i32
      %dma_start3A_73 = tpu.memref_slice %arg9[%add3A_13, %dma_start3A_72] : memref<10240x128xf32, #tpu.memory_space<vmem_shared>> -> memref<128x128xf32, #tpu.memory_space<vmem_shared>>
      %dma_start3A_74 = arith.constant 0 : i32
      %dma_start3A_75 = tpu.memref_slice %arg9[%add3A_13, %dma_start3A_74] : memref<10240x128xf32, #tpu.memory_space<vmem_shared>> -> memref<128x128xf32, #tpu.memory_space<vmem_shared>>
      %dma_start3A_76 = arith.constant 0 : i32
      %dma_start3A_77 = arith.constant 0 : i32
      %dma_start3A_78 = tpu.memref_slice %arg8[%run_scoped3A_14, %dma_start3A_76, %dma_start3A_77] : memref<2x128x128xf32, #tpu.memory_space<vmem>> -> memref<1x128x128xf32, #tpu.memory_space<vmem>>
      %dma_start3A_79 = tpu.memref_squeeze %dma_start3A_78 : memref<1x128x128xf32, #tpu.memory_space<vmem>> -> memref<128x128xf32, #tpu.memory_space<vmem>>
      tpu.enqueue_dma source(%dma_start3A_79 : memref<128x128xf32, #tpu.memory_space<vmem>>) target(%dma_start3A_75 : memref<128x128xf32, #tpu.memory_space<vmem_shared>>) target_semaphore(%run_scoped3A_67 : memref<!tpu.dma_semaphore, #tpu.memory_space<semaphore_mem>>)
      %dma_wait3A = arith.constant 0 : i32
      %dma_wait3A_80 = arith.constant 0 : i32
      %dma_wait3A_81 = tpu.memref_slice %arg8[%run_scoped3A_14, %dma_wait3A, %dma_wait3A_80] : memref<2x128x128xf32, #tpu.memory_space<vmem>> -> memref<1x128x128xf32, #tpu.memory_space<vmem>>
      %dma_wait3A_82 = tpu.memref_squeeze %dma_wait3A_81 : memref<1x128x128xf32, #tpu.memory_space<vmem>> -> memref<128x128xf32, #tpu.memory_space<vmem>>
      %dma_wait3A_83 = arith.constant 0 : i32
      %dma_wait3A_84 = tpu.memref_slice %arg9[%add3A_13, %dma_wait3A_83] : memref<10240x128xf32, #tpu.memory_space<vmem_shared>> -> memref<128x128xf32, #tpu.memory_space<vmem_shared>>
      %dma_wait3A_85 = arith.constant 0 : i32
      %dma_wait3A_86 = tpu.memref_slice %arg9[%add3A_13, %dma_wait3A_85] : memref<10240x128xf32, #tpu.memory_space<vmem_shared>> -> memref<128x128xf32, #tpu.memory_space<vmem_shared>>
      %dma_wait3A_87 = arith.constant 0 : i32
      %dma_wait3A_88 = arith.constant 0 : i32
      %dma_wait3A_89 = tpu.memref_slice %arg8[%run_scoped3A_14, %dma_wait3A_87, %dma_wait3A_88] : memref<2x128x128xf32, #tpu.memory_space<vmem>> -> memref<1x128x128xf32, #tpu.memory_space<vmem>>
      %dma_wait3A_90 = tpu.memref_squeeze %dma_wait3A_89 : memref<1x128x128xf32, #tpu.memory_space<vmem>> -> memref<128x128xf32, #tpu.memory_space<vmem>>
      tpu.wait_dma2 semaphore(%run_scoped3A_67 : memref<!tpu.dma_semaphore, #tpu.memory_space<semaphore_mem>>) src(%dma_wait3A_90 : memref<128x128xf32, #tpu.memory_space<vmem>>) dst(%dma_wait3A_86 : memref<128x128xf32, #tpu.memory_space<vmem_shared>>)
      tpu.yield
    }) : () -> ()
    %mul3A_15 = arith.constant 640 : i32
    %mul3A_16 = arith.muli %arg1, %mul3A_15 : i32
    %add3A_17 = arith.constant 256 : i32
    %add3A_18 = arith.addi %mul3A_16, %add3A_17 : i32
    %run_scoped3A_19 = arith.constant 0 : i32
    "tpu.region"() ({
      %run_scoped3A_67 = tpu.sem_alloc : memref<!tpu.dma_semaphore, #tpu.memory_space<semaphore_mem>>
      %dma_start3A_68 = arith.constant 0 : i32
      %dma_start3A_69 = arith.constant 0 : i32
      %dma_start3A_70 = tpu.memref_slice %arg8[%run_scoped3A_19, %dma_start3A_68, %dma_start3A_69] : memref<2x128x128xf32, #tpu.memory_space<vmem>> -> memref<1x128x128xf32, #tpu.memory_space<vmem>>
      %dma_start3A_71 = tpu.memref_squeeze %dma_start3A_70 : memref<1x128x128xf32, #tpu.memory_space<vmem>> -> memref<128x128xf32, #tpu.memory_space<vmem>>
      %dma_start3A_72 = arith.constant 0 : i32
      %dma_start3A_73 = tpu.memref_slice %arg9[%add3A_18, %dma_start3A_72] : memref<10240x128xf32, #tpu.memory_space<vmem_shared>> -> memref<128x128xf32, #tpu.memory_space<vmem_shared>>
      %dma_start3A_74 = arith.constant 0 : i32
      %dma_start3A_75 = tpu.memref_slice %arg9[%add3A_18, %dma_start3A_74] : memref<10240x128xf32, #tpu.memory_space<vmem_shared>> -> memref<128x128xf32, #tpu.memory_space<vmem_shared>>
      %dma_start3A_76 = arith.constant 0 : i32
      %dma_start3A_77 = arith.constant 0 : i32
      %dma_start3A_78 = tpu.memref_slice %arg8[%run_scoped3A_19, %dma_start3A_76, %dma_start3A_77] : memref<2x128x128xf32, #tpu.memory_space<vmem>> -> memref<1x128x128xf32, #tpu.memory_space<vmem>>
      %dma_start3A_79 = tpu.memref_squeeze %dma_start3A_78 : memref<1x128x128xf32, #tpu.memory_space<vmem>> -> memref<128x128xf32, #tpu.memory_space<vmem>>
      tpu.enqueue_dma source(%dma_start3A_79 : memref<128x128xf32, #tpu.memory_space<vmem>>) target(%dma_start3A_75 : memref<128x128xf32, #tpu.memory_space<vmem_shared>>) target_semaphore(%run_scoped3A_67 : memref<!tpu.dma_semaphore, #tpu.memory_space<semaphore_mem>>)
      %dma_wait3A = arith.constant 0 : i32
      %dma_wait3A_80 = arith.constant 0 : i32
      %dma_wait3A_81 = tpu.memref_slice %arg8[%run_scoped3A_19, %dma_wait3A, %dma_wait3A_80] : memref<2x128x128xf32, #tpu.memory_space<vmem>> -> memref<1x128x128xf32, #tpu.memory_space<vmem>>
      %dma_wait3A_82 = tpu.memref_squeeze %dma_wait3A_81 : memref<1x128x128xf32, #tpu.memory_space<vmem>> -> memref<128x128xf32, #tpu.memory_space<vmem>>
      %dma_wait3A_83 = arith.constant 0 : i32
      %dma_wait3A_84 = tpu.memref_slice %arg9[%add3A_18, %dma_wait3A_83] : memref<10240x128xf32, #tpu.memory_space<vmem_shared>> -> memref<128x128xf32, #tpu.memory_space<vmem_shared>>
      %dma_wait3A_85 = arith.constant 0 : i32
      %dma_wait3A_86 = tpu.memref_slice %arg9[%add3A_18, %dma_wait3A_85] : memref<10240x128xf32, #tpu.memory_space<vmem_shared>> -> memref<128x128xf32, #tpu.memory_space<vmem_shared>>
      %dma_wait3A_87 = arith.constant 0 : i32
      %dma_wait3A_88 = arith.constant 0 : i32
      %dma_wait3A_89 = tpu.memref_slice %arg8[%run_scoped3A_19, %dma_wait3A_87, %dma_wait3A_88] : memref<2x128x128xf32, #tpu.memory_space<vmem>> -> memref<1x128x128xf32, #tpu.memory_space<vmem>>
      %dma_wait3A_90 = tpu.memref_squeeze %dma_wait3A_89 : memref<1x128x128xf32, #tpu.memory_space<vmem>> -> memref<128x128xf32, #tpu.memory_space<vmem>>
      tpu.wait_dma2 semaphore(%run_scoped3A_67 : memref<!tpu.dma_semaphore, #tpu.memory_space<semaphore_mem>>) src(%dma_wait3A_90 : memref<128x128xf32, #tpu.memory_space<vmem>>) dst(%dma_wait3A_86 : memref<128x128xf32, #tpu.memory_space<vmem_shared>>)
      tpu.yield
    }) : () -> ()
    %mul3A_20 = arith.constant 640 : i32
    %mul3A_21 = arith.muli %arg1, %mul3A_20 : i32
    %add3A_22 = arith.constant 384 : i32
    %add3A_23 = arith.addi %mul3A_21, %add3A_22 : i32
    %run_scoped3A_24 = arith.constant 0 : i32
    "tpu.region"() ({
      %run_scoped3A_67 = tpu.sem_alloc : memref<!tpu.dma_semaphore, #tpu.memory_space<semaphore_mem>>
      %dma_start3A_68 = arith.constant 0 : i32
      %dma_start3A_69 = arith.constant 0 : i32
      %dma_start3A_70 = tpu.memref_slice %arg8[%run_scoped3A_24, %dma_start3A_68, %dma_start3A_69] : memref<2x128x128xf32, #tpu.memory_space<vmem>> -> memref<1x128x128xf32, #tpu.memory_space<vmem>>
      %dma_start3A_71 = tpu.memref_squeeze %dma_start3A_70 : memref<1x128x128xf32, #tpu.memory_space<vmem>> -> memref<128x128xf32, #tpu.memory_space<vmem>>
      %dma_start3A_72 = arith.constant 0 : i32
      %dma_start3A_73 = tpu.memref_slice %arg9[%add3A_23, %dma_start3A_72] : memref<10240x128xf32, #tpu.memory_space<vmem_shared>> -> memref<128x128xf32, #tpu.memory_space<vmem_shared>>
      %dma_start3A_74 = arith.constant 0 : i32
      %dma_start3A_75 = tpu.memref_slice %arg9[%add3A_23, %dma_start3A_74] : memref<10240x128xf32, #tpu.memory_space<vmem_shared>> -> memref<128x128xf32, #tpu.memory_space<vmem_shared>>
      %dma_start3A_76 = arith.constant 0 : i32
      %dma_start3A_77 = arith.constant 0 : i32
      %dma_start3A_78 = tpu.memref_slice %arg8[%run_scoped3A_24, %dma_start3A_76, %dma_start3A_77] : memref<2x128x128xf32, #tpu.memory_space<vmem>> -> memref<1x128x128xf32, #tpu.memory_space<vmem>>
      %dma_start3A_79 = tpu.memref_squeeze %dma_start3A_78 : memref<1x128x128xf32, #tpu.memory_space<vmem>> -> memref<128x128xf32, #tpu.memory_space<vmem>>
      tpu.enqueue_dma source(%dma_start3A_79 : memref<128x128xf32, #tpu.memory_space<vmem>>) target(%dma_start3A_75 : memref<128x128xf32, #tpu.memory_space<vmem_shared>>) target_semaphore(%run_scoped3A_67 : memref<!tpu.dma_semaphore, #tpu.memory_space<semaphore_mem>>)
      %dma_wait3A = arith.constant 0 : i32
      %dma_wait3A_80 = arith.constant 0 : i32
      %dma_wait3A_81 = tpu.memref_slice %arg8[%run_scoped3A_24, %dma_wait3A, %dma_wait3A_80] : memref<2x128x128xf32, #tpu.memory_space<vmem>> -> memref<1x128x128xf32, #tpu.memory_space<vmem>>
      %dma_wait3A_82 = tpu.memref_squeeze %dma_wait3A_81 : memref<1x128x128xf32, #tpu.memory_space<vmem>> -> memref<128x128xf32, #tpu.memory_space<vmem>>
      %dma_wait3A_83 = arith.constant 0 : i32
      %dma_wait3A_84 = tpu.memref_slice %arg9[%add3A_23, %dma_wait3A_83] : memref<10240x128xf32, #tpu.memory_space<vmem_shared>> -> memref<128x128xf32, #tpu.memory_space<vmem_shared>>
      %dma_wait3A_85 = arith.constant 0 : i32
      %dma_wait3A_86 = tpu.memref_slice %arg9[%add3A_23, %dma_wait3A_85] : memref<10240x128xf32, #tpu.memory_space<vmem_shared>> -> memref<128x128xf32, #tpu.memory_space<vmem_shared>>
      %dma_wait3A_87 = arith.constant 0 : i32
      %dma_wait3A_88 = arith.constant 0 : i32
      %dma_wait3A_89 = tpu.memref_slice %arg8[%run_scoped3A_24, %dma_wait3A_87, %dma_wait3A_88] : memref<2x128x128xf32, #tpu.memory_space<vmem>> -> memref<1x128x128xf32, #tpu.memory_space<vmem>>
      %dma_wait3A_90 = tpu.memref_squeeze %dma_wait3A_89 : memref<1x128x128xf32, #tpu.memory_space<vmem>> -> memref<128x128xf32, #tpu.memory_space<vmem>>
      tpu.wait_dma2 semaphore(%run_scoped3A_67 : memref<!tpu.dma_semaphore, #tpu.memory_space<semaphore_mem>>) src(%dma_wait3A_90 : memref<128x128xf32, #tpu.memory_space<vmem>>) dst(%dma_wait3A_86 : memref<128x128xf32, #tpu.memory_space<vmem_shared>>)
      tpu.yield
    }) : () -> ()
    %mul3A_25 = arith.constant 640 : i32
    %mul3A_26 = arith.muli %arg1, %mul3A_25 : i32
    %add3A_27 = arith.constant 512 : i32
    %add3A_28 = arith.addi %mul3A_26, %add3A_27 : i32
    %run_scoped3A_29 = arith.constant 0 : i32
    "tpu.region"() ({
      %run_scoped3A_67 = tpu.sem_alloc : memref<!tpu.dma_semaphore, #tpu.memory_space<semaphore_mem>>
      %dma_start3A_68 = arith.constant 0 : i32
      %dma_start3A_69 = arith.constant 0 : i32
      %dma_start3A_70 = tpu.memref_slice %arg8[%run_scoped3A_29, %dma_start3A_68, %dma_start3A_69] : memref<2x128x128xf32, #tpu.memory_space<vmem>> -> memref<1x128x128xf32, #tpu.memory_space<vmem>>
      %dma_start3A_71 = tpu.memref_squeeze %dma_start3A_70 : memref<1x128x128xf32, #tpu.memory_space<vmem>> -> memref<128x128xf32, #tpu.memory_space<vmem>>
      %dma_start3A_72 = arith.constant 0 : i32
      %dma_start3A_73 = tpu.memref_slice %arg9[%add3A_28, %dma_start3A_72] : memref<10240x128xf32, #tpu.memory_space<vmem_shared>> -> memref<128x128xf32, #tpu.memory_space<vmem_shared>>
      %dma_start3A_74 = arith.constant 0 : i32
      %dma_start3A_75 = tpu.memref_slice %arg9[%add3A_28, %dma_start3A_74] : memref<10240x128xf32, #tpu.memory_space<vmem_shared>> -> memref<128x128xf32, #tpu.memory_space<vmem_shared>>
      %dma_start3A_76 = arith.constant 0 : i32
      %dma_start3A_77 = arith.constant 0 : i32
      %dma_start3A_78 = tpu.memref_slice %arg8[%run_scoped3A_29, %dma_start3A_76, %dma_start3A_77] : memref<2x128x128xf32, #tpu.memory_space<vmem>> -> memref<1x128x128xf32, #tpu.memory_space<vmem>>
      %dma_start3A_79 = tpu.memref_squeeze %dma_start3A_78 : memref<1x128x128xf32, #tpu.memory_space<vmem>> -> memref<128x128xf32, #tpu.memory_space<vmem>>
      tpu.enqueue_dma source(%dma_start3A_79 : memref<128x128xf32, #tpu.memory_space<vmem>>) target(%dma_start3A_75 : memref<128x128xf32, #tpu.memory_space<vmem_shared>>) target_semaphore(%run_scoped3A_67 : memref<!tpu.dma_semaphore, #tpu.memory_space<semaphore_mem>>)
      %dma_wait3A = arith.constant 0 : i32
      %dma_wait3A_80 = arith.constant 0 : i32
      %dma_wait3A_81 = tpu.memref_slice %arg8[%run_scoped3A_29, %dma_wait3A, %dma_wait3A_80] : memref<2x128x128xf32, #tpu.memory_space<vmem>> -> memref<1x128x128xf32, #tpu.memory_space<vmem>>
      %dma_wait3A_82 = tpu.memref_squeeze %dma_wait3A_81 : memref<1x128x128xf32, #tpu.memory_space<vmem>> -> memref<128x128xf32, #tpu.memory_space<vmem>>
      %dma_wait3A_83 = arith.constant 0 : i32
      %dma_wait3A_84 = tpu.memref_slice %arg9[%add3A_28, %dma_wait3A_83] : memref<10240x128xf32, #tpu.memory_space<vmem_shared>> -> memref<128x128xf32, #tpu.memory_space<vmem_shared>>
      %dma_wait3A_85 = arith.constant 0 : i32
      %dma_wait3A_86 = tpu.memref_slice %arg9[%add3A_28, %dma_wait3A_85] : memref<10240x128xf32, #tpu.memory_space<vmem_shared>> -> memref<128x128xf32, #tpu.memory_space<vmem_shared>>
      %dma_wait3A_87 = arith.constant 0 : i32
      %dma_wait3A_88 = arith.constant 0 : i32
      %dma_wait3A_89 = tpu.memref_slice %arg8[%run_scoped3A_29, %dma_wait3A_87, %dma_wait3A_88] : memref<2x128x128xf32, #tpu.memory_space<vmem>> -> memref<1x128x128xf32, #tpu.memory_space<vmem>>
      %dma_wait3A_90 = tpu.memref_squeeze %dma_wait3A_89 : memref<1x128x128xf32, #tpu.memory_space<vmem>> -> memref<128x128xf32, #tpu.memory_space<vmem>>
      tpu.wait_dma2 semaphore(%run_scoped3A_67 : memref<!tpu.dma_semaphore, #tpu.memory_space<semaphore_mem>>) src(%dma_wait3A_90 : memref<128x128xf32, #tpu.memory_space<vmem>>) dst(%dma_wait3A_86 : memref<128x128xf32, #tpu.memory_space<vmem_shared>>)
      tpu.yield
    }) : () -> ()
    %barrier3A = arith.constant 0 : index
    tpu.barrier barrier_id(%barrier3A)
    %dma_start3A = arith.constant 0 : i32
    %dma_start3A_30 = arith.constant 0 : i32
    %dma_start3A_31 = arith.constant 0 : i32
    %dma_start3A_32 = arith.constant 0 : i32
    %dma_start3A_33 = tpu.memref_slice %arg8[%dma_start3A_30, %dma_start3A_31, %dma_start3A_32] : memref<2x128x128xf32, #tpu.memory_space<vmem>> -> memref<1x128x128xf32, #tpu.memory_space<vmem>>
    %dma_start3A_34 = tpu.memref_squeeze %dma_start3A_33 : memref<1x128x128xf32, #tpu.memory_space<vmem>> -> memref<128x128xf32, #tpu.memory_space<vmem>>
    %dma_start3A_35 = arith.constant 0 : i32
    %dma_start3A_36 = tpu.memref_slice %arg6[%dma_start3A, %dma_start3A_35] : memref<40x128xi32, #tpu.memory_space<vmem>> -> memref<1x128xi32, #tpu.memory_space<vmem>>
    %dma_start3A_37 = tpu.memref_squeeze %dma_start3A_36 : memref<1x128xi32, #tpu.memory_space<vmem>> -> memref<128xi32, #tpu.memory_space<vmem>>
    %dma_start3A_38 = arith.constant 0 : i32
    %dma_start3A_39 = arith.constant 0 : i32
    %dma_start3A_40 = tpu.memref_slice %arg4[%dma_start3A_38, %dma_start3A_39] : memref<10000x128xf32, #tpu.memory_space<hbm>> -> memref<10000x128xf32, #tpu.memory_space<hbm>>
    tpu.enqueue_indirect_dma source(%dma_start3A_40 : memref<10000x128xf32, #tpu.memory_space<hbm>>) target(%dma_start3A_34 : memref<128x128xf32, #tpu.memory_space<vmem>>) offsets(%dma_start3A_37 : memref<128xi32, #tpu.memory_space<vmem>>) semaphore(%arg10 : memref<!tpu.dma_semaphore, #tpu.memory_space<semaphore_mem>>)
    %dma_start3A_41 = arith.constant 1 : i32
    %dma_start3A_42 = arith.constant 1 : i32
    %dma_start3A_43 = arith.constant 0 : i32
    %dma_start3A_44 = arith.constant 0 : i32
    %dma_start3A_45 = tpu.memref_slice %arg8[%dma_start3A_42, %dma_start3A_43, %dma_start3A_44] : memref<2x128x128xf32, #tpu.memory_space<vmem>> -> memref<1x128x128xf32, #tpu.memory_space<vmem>>
    %dma_start3A_46 = tpu.memref_squeeze %dma_start3A_45 : memref<1x128x128xf32, #tpu.memory_space<vmem>> -> memref<128x128xf32, #tpu.memory_space<vmem>>
    %dma_start3A_47 = arith.constant 0 : i32
    %dma_start3A_48 = tpu.memref_slice %arg6[%dma_start3A_41, %dma_start3A_47] : memref<40x128xi32, #tpu.memory_space<vmem>> -> memref<1x128xi32, #tpu.memory_space<vmem>>
    %dma_start3A_49 = tpu.memref_squeeze %dma_start3A_48 : memref<1x128xi32, #tpu.memory_space<vmem>> -> memref<128xi32, #tpu.memory_space<vmem>>
    %dma_start3A_50 = arith.constant 0 : i32
    %dma_start3A_51 = arith.constant 0 : i32
    %dma_start3A_52 = tpu.memref_slice %arg4[%dma_start3A_50, %dma_start3A_51] : memref<10000x128xf32, #tpu.memory_space<hbm>> -> memref<10000x128xf32, #tpu.memory_space<hbm>>
    tpu.enqueue_indirect_dma source(%dma_start3A_52 : memref<10000x128xf32, #tpu.memory_space<hbm>>) target(%dma_start3A_46 : memref<128x128xf32, #tpu.memory_space<vmem>>) offsets(%dma_start3A_49 : memref<128xi32, #tpu.memory_space<vmem>>) semaphore(%arg11 : memref<!tpu.dma_semaphore, #tpu.memory_space<semaphore_mem>>)
    %scan3A_53 = arith.constant 0 : i32
    %scan3A_54 = arith.constant 0 : i32
    %scan3A_55 = arith.constant 20 : i32
    %scan3A_56 = arith.addi %scan3A_54, %scan3A_55 : i32
    %scan3A_57 = arith.constant 1 : i32
    scf.for %scan3A_67 = %scan3A_54 to %scan3A_56 step %scan3A_57  : i32 {
      %mul3A_68 = arith.constant 2 : i32
      %mul3A_69 = arith.muli %scan3A_67, %mul3A_68 : i32
      %add3A_70 = arith.constant 0 : i32
      %add3A_71 = arith.addi %mul3A_69, %add3A_70 : i32
      %dma_wait3A = arith.constant 0 : i32
      %dma_wait3A_72 = arith.constant 0 : i32
      %dma_wait3A_73 = arith.constant 0 : i32
      %dma_wait3A_74 = tpu.memref_slice %arg8[%dma_wait3A, %dma_wait3A_72, %dma_wait3A_73] : memref<2x128x128xf32, #tpu.memory_space<vmem>> -> memref<1x128x128xf32, #tpu.memory_space<vmem>>
      %dma_wait3A_75 = tpu.memref_squeeze %dma_wait3A_74 : memref<1x128x128xf32, #tpu.memory_space<vmem>> -> memref<128x128xf32, #tpu.memory_space<vmem>>
      %dma_wait3A_76 = arith.constant 0 : i32
      %dma_wait3A_77 = tpu.memref_slice %arg6[%add3A_71, %dma_wait3A_76] : memref<40x128xi32, #tpu.memory_space<vmem>> -> memref<1x128xi32, #tpu.memory_space<vmem>>
      %dma_wait3A_78 = tpu.memref_squeeze %dma_wait3A_77 : memref<1x128xi32, #tpu.memory_space<vmem>> -> memref<128xi32, #tpu.memory_space<vmem>>
      %dma_wait3A_79 = arith.constant 0 : i32
      %dma_wait3A_80 = arith.constant 0 : i32
      %dma_wait3A_81 = tpu.memref_slice %arg4[%dma_wait3A_79, %dma_wait3A_80] : memref<10000x128xf32, #tpu.memory_space<hbm>> -> memref<10000x128xf32, #tpu.memory_space<hbm>>
      tpu.wait_indirect_dma semaphore(%arg10 : memref<!tpu.dma_semaphore, #tpu.memory_space<semaphore_mem>>) src(%dma_wait3A_81 : memref<10000x128xf32, #tpu.memory_space<hbm>>) dst(%dma_wait3A_75 : memref<128x128xf32, #tpu.memory_space<vmem>>)
      %add3A_82 = arith.constant 0 : i32
      %add3A_83 = arith.addi %mul3A_69, %add3A_82 : i32
      %dma_start3A_84 = arith.constant 0 : i32
      %dma_start3A_85 = arith.constant 0 : i32
      %dma_start3A_86 = arith.constant 0 : i32
      %dma_start3A_87 = tpu.memref_slice %arg8[%dma_start3A_84, %dma_start3A_85, %dma_start3A_86] : memref<2x128x128xf32, #tpu.memory_space<vmem>> -> memref<1x128x128xf32, #tpu.memory_space<vmem>>
      %dma_start3A_88 = tpu.memref_squeeze %dma_start3A_87 : memref<1x128x128xf32, #tpu.memory_space<vmem>> -> memref<128x128xf32, #tpu.memory_space<vmem>>
      %dma_start3A_89 = arith.constant 0 : i32
      %dma_start3A_90 = tpu.memref_slice %arg7[%add3A_83, %dma_start3A_89] : memref<40x128xi32, #tpu.memory_space<vmem>> -> memref<1x128xi32, #tpu.memory_space<vmem>>
      %dma_start3A_91 = tpu.memref_squeeze %dma_start3A_90 : memref<1x128xi32, #tpu.memory_space<vmem>> -> memref<128xi32, #tpu.memory_space<vmem>>
      %dma_start3A_92 = arith.constant 0 : i32
      %dma_start3A_93 = arith.constant 0 : i32
      %dma_start3A_94 = tpu.memref_slice %arg9[%dma_start3A_92, %dma_start3A_93] : memref<10240x128xf32, #tpu.memory_space<vmem_shared>> -> memref<10240x128xf32, #tpu.memory_space<vmem_shared>>
      tpu.enqueue_indirect_dma source(%dma_start3A_88 : memref<128x128xf32, #tpu.memory_space<vmem>>) target(%dma_start3A_94 : memref<10240x128xf32, #tpu.memory_space<vmem_shared>>) offsets(%dma_start3A_91 : memref<128xi32, #tpu.memory_space<vmem>>) semaphore(%arg12 : memref<!tpu.dma_semaphore, #tpu.memory_space<semaphore_mem>>) {add = true}
      %add3A_95 = arith.constant 1 : i32
      %add3A_96 = arith.addi %mul3A_69, %add3A_95 : i32
      %dma_wait3A_97 = arith.constant 1 : i32
      %dma_wait3A_98 = arith.constant 0 : i32
      %dma_wait3A_99 = arith.constant 0 : i32
      %dma_wait3A_100 = tpu.memref_slice %arg8[%dma_wait3A_97, %dma_wait3A_98, %dma_wait3A_99] : memref<2x128x128xf32, #tpu.memory_space<vmem>> -> memref<1x128x128xf32, #tpu.memory_space<vmem>>
      %dma_wait3A_101 = tpu.memref_squeeze %dma_wait3A_100 : memref<1x128x128xf32, #tpu.memory_space<vmem>> -> memref<128x128xf32, #tpu.memory_space<vmem>>
      %dma_wait3A_102 = arith.constant 0 : i32
      %dma_wait3A_103 = tpu.memref_slice %arg6[%add3A_96, %dma_wait3A_102] : memref<40x128xi32, #tpu.memory_space<vmem>> -> memref<1x128xi32, #tpu.memory_space<vmem>>
      %dma_wait3A_104 = tpu.memref_squeeze %dma_wait3A_103 : memref<1x128xi32, #tpu.memory_space<vmem>> -> memref<128xi32, #tpu.memory_space<vmem>>
      %dma_wait3A_105 = arith.constant 0 : i32
      %dma_wait3A_106 = arith.constant 0 : i32
      %dma_wait3A_107 = tpu.memref_slice %arg4[%dma_wait3A_105, %dma_wait3A_106] : memref<10000x128xf32, #tpu.memory_space<hbm>> -> memref<10000x128xf32, #tpu.memory_space<hbm>>
      tpu.wait_indirect_dma semaphore(%arg11 : memref<!tpu.dma_semaphore, #tpu.memory_space<semaphore_mem>>) src(%dma_wait3A_107 : memref<10000x128xf32, #tpu.memory_space<hbm>>) dst(%dma_wait3A_101 : memref<128x128xf32, #tpu.memory_space<vmem>>)
      %add3A_108 = arith.constant 1 : i32
      %add3A_109 = arith.addi %mul3A_69, %add3A_108 : i32
      %dma_start3A_110 = arith.constant 1 : i32
      %dma_start3A_111 = arith.constant 0 : i32
      %dma_start3A_112 = arith.constant 0 : i32
      %dma_start3A_113 = tpu.memref_slice %arg8[%dma_start3A_110, %dma_start3A_111, %dma_start3A_112] : memref<2x128x128xf32, #tpu.memory_space<vmem>> -> memref<1x128x128xf32, #tpu.memory_space<vmem>>
      %dma_start3A_114 = tpu.memref_squeeze %dma_start3A_113 : memref<1x128x128xf32, #tpu.memory_space<vmem>> -> memref<128x128xf32, #tpu.memory_space<vmem>>
      %dma_start3A_115 = arith.constant 0 : i32
      %dma_start3A_116 = tpu.memref_slice %arg7[%add3A_109, %dma_start3A_115] : memref<40x128xi32, #tpu.memory_space<vmem>> -> memref<1x128xi32, #tpu.memory_space<vmem>>
      %dma_start3A_117 = tpu.memref_squeeze %dma_start3A_116 : memref<1x128xi32, #tpu.memory_space<vmem>> -> memref<128xi32, #tpu.memory_space<vmem>>
      %dma_start3A_118 = arith.constant 0 : i32
      %dma_start3A_119 = arith.constant 0 : i32
      %dma_start3A_120 = tpu.memref_slice %arg9[%dma_start3A_118, %dma_start3A_119] : memref<10240x128xf32, #tpu.memory_space<vmem_shared>> -> memref<10240x128xf32, #tpu.memory_space<vmem_shared>>
      tpu.enqueue_indirect_dma source(%dma_start3A_114 : memref<128x128xf32, #tpu.memory_space<vmem>>) target(%dma_start3A_120 : memref<10240x128xf32, #tpu.memory_space<vmem_shared>>) offsets(%dma_start3A_117 : memref<128xi32, #tpu.memory_space<vmem>>) semaphore(%arg13 : memref<!tpu.dma_semaphore, #tpu.memory_space<semaphore_mem>>) {add = true}
      %add3A_121 = arith.constant 2 : i32
      %add3A_122 = arith.addi %mul3A_69, %add3A_121 : i32
      %lt3A = arith.constant 40 : i32
      %lt3A_123 = arith.cmpi slt, %add3A_122, %lt3A : i32
      %convert_element_type3A = arith.extui %lt3A_123 : i1 to i32
      %cond3A = arith.constant 0 : i32
      %cond3A_124 = arith.cmpi ne, %convert_element_type3A, %cond3A : i32
      scf.if %cond3A_124 {
        %add3A_129 = arith.constant 0 : i32
        %add3A_130 = arith.addi %mul3A_69, %add3A_129 : i32
        %dma_wait3A_131 = arith.constant 0 : i32
        %dma_wait3A_132 = arith.constant 0 : i32
        %dma_wait3A_133 = arith.constant 0 : i32
        %dma_wait3A_134 = tpu.memref_slice %arg8[%dma_wait3A_131, %dma_wait3A_132, %dma_wait3A_133] : memref<2x128x128xf32, #tpu.memory_space<vmem>> -> memref<1x128x128xf32, #tpu.memory_space<vmem>>
        %dma_wait3A_135 = tpu.memref_squeeze %dma_wait3A_134 : memref<1x128x128xf32, #tpu.memory_space<vmem>> -> memref<128x128xf32, #tpu.memory_space<vmem>>
        %dma_wait3A_136 = arith.constant 0 : i32
        %dma_wait3A_137 = tpu.memref_slice %arg7[%add3A_130, %dma_wait3A_136] : memref<40x128xi32, #tpu.memory_space<vmem>> -> memref<1x128xi32, #tpu.memory_space<vmem>>
        %dma_wait3A_138 = tpu.memref_squeeze %dma_wait3A_137 : memref<1x128xi32, #tpu.memory_space<vmem>> -> memref<128xi32, #tpu.memory_space<vmem>>
        %dma_wait3A_139 = arith.constant 0 : i32
        %dma_wait3A_140 = arith.constant 0 : i32
        %dma_wait3A_141 = tpu.memref_slice %arg9[%dma_wait3A_139, %dma_wait3A_140] : memref<10240x128xf32, #tpu.memory_space<vmem_shared>> -> memref<10240x128xf32, #tpu.memory_space<vmem_shared>>
        tpu.wait_indirect_dma semaphore(%arg12 : memref<!tpu.dma_semaphore, #tpu.memory_space<semaphore_mem>>) src(%dma_wait3A_135 : memref<128x128xf32, #tpu.memory_space<vmem>>) dst(%dma_wait3A_141 : memref<10240x128xf32, #tpu.memory_space<vmem_shared>>)
        %add3A_142 = arith.constant 0 : i32
        %add3A_143 = arith.addi %add3A_122, %add3A_142 : i32
        %dma_start3A_144 = arith.constant 0 : i32
        %dma_start3A_145 = arith.constant 0 : i32
        %dma_start3A_146 = arith.constant 0 : i32
        %dma_start3A_147 = tpu.memref_slice %arg8[%dma_start3A_144, %dma_start3A_145, %dma_start3A_146] : memref<2x128x128xf32, #tpu.memory_space<vmem>> -> memref<1x128x128xf32, #tpu.memory_space<vmem>>
        %dma_start3A_148 = tpu.memref_squeeze %dma_start3A_147 : memref<1x128x128xf32, #tpu.memory_space<vmem>> -> memref<128x128xf32, #tpu.memory_space<vmem>>
        %dma_start3A_149 = arith.constant 0 : i32
        %dma_start3A_150 = tpu.memref_slice %arg6[%add3A_143, %dma_start3A_149] : memref<40x128xi32, #tpu.memory_space<vmem>> -> memref<1x128xi32, #tpu.memory_space<vmem>>
        %dma_start3A_151 = tpu.memref_squeeze %dma_start3A_150 : memref<1x128xi32, #tpu.memory_space<vmem>> -> memref<128xi32, #tpu.memory_space<vmem>>
        %dma_start3A_152 = arith.constant 0 : i32
        %dma_start3A_153 = arith.constant 0 : i32
        %dma_start3A_154 = tpu.memref_slice %arg4[%dma_start3A_152, %dma_start3A_153] : memref<10000x128xf32, #tpu.memory_space<hbm>> -> memref<10000x128xf32, #tpu.memory_space<hbm>>
        tpu.enqueue_indirect_dma source(%dma_start3A_154 : memref<10000x128xf32, #tpu.memory_space<hbm>>) target(%dma_start3A_148 : memref<128x128xf32, #tpu.memory_space<vmem>>) offsets(%dma_start3A_151 : memref<128xi32, #tpu.memory_space<vmem>>) semaphore(%arg10 : memref<!tpu.dma_semaphore, #tpu.memory_space<semaphore_mem>>)
        %add3A_155 = arith.constant 1 : i32
        %add3A_156 = arith.addi %mul3A_69, %add3A_155 : i32
        %dma_wait3A_157 = arith.constant 1 : i32
        %dma_wait3A_158 = arith.constant 0 : i32
        %dma_wait3A_159 = arith.constant 0 : i32
        %dma_wait3A_160 = tpu.memref_slice %arg8[%dma_wait3A_157, %dma_wait3A_158, %dma_wait3A_159] : memref<2x128x128xf32, #tpu.memory_space<vmem>> -> memref<1x128x128xf32, #tpu.memory_space<vmem>>
        %dma_wait3A_161 = tpu.memref_squeeze %dma_wait3A_160 : memref<1x128x128xf32, #tpu.memory_space<vmem>> -> memref<128x128xf32, #tpu.memory_space<vmem>>
        %dma_wait3A_162 = arith.constant 0 : i32
        %dma_wait3A_163 = tpu.memref_slice %arg7[%add3A_156, %dma_wait3A_162] : memref<40x128xi32, #tpu.memory_space<vmem>> -> memref<1x128xi32, #tpu.memory_space<vmem>>
        %dma_wait3A_164 = tpu.memref_squeeze %dma_wait3A_163 : memref<1x128xi32, #tpu.memory_space<vmem>> -> memref<128xi32, #tpu.memory_space<vmem>>
        %dma_wait3A_165 = arith.constant 0 : i32
        %dma_wait3A_166 = arith.constant 0 : i32
        %dma_wait3A_167 = tpu.memref_slice %arg9[%dma_wait3A_165, %dma_wait3A_166] : memref<10240x128xf32, #tpu.memory_space<vmem_shared>> -> memref<10240x128xf32, #tpu.memory_space<vmem_shared>>
        tpu.wait_indirect_dma semaphore(%arg13 : memref<!tpu.dma_semaphore, #tpu.memory_space<semaphore_mem>>) src(%dma_wait3A_161 : memref<128x128xf32, #tpu.memory_space<vmem>>) dst(%dma_wait3A_167 : memref<10240x128xf32, #tpu.memory_space<vmem_shared>>)
        %add3A_168 = arith.constant 1 : i32
        %add3A_169 = arith.addi %add3A_122, %add3A_168 : i32
        %dma_start3A_170 = arith.constant 1 : i32
        %dma_start3A_171 = arith.constant 0 : i32
        %dma_start3A_172 = arith.constant 0 : i32
        %dma_start3A_173 = tpu.memref_slice %arg8[%dma_start3A_170, %dma_start3A_171, %dma_start3A_172] : memref<2x128x128xf32, #tpu.memory_space<vmem>> -> memref<1x128x128xf32, #tpu.memory_space<vmem>>
        %dma_start3A_174 = tpu.memref_squeeze %dma_start3A_173 : memref<1x128x128xf32, #tpu.memory_space<vmem>> -> memref<128x128xf32, #tpu.memory_space<vmem>>
        %dma_start3A_175 = arith.constant 0 : i32
        %dma_start3A_176 = tpu.memref_slice %arg6[%add3A_169, %dma_start3A_175] : memref<40x128xi32, #tpu.memory_space<vmem>> -> memref<1x128xi32, #tpu.memory_space<vmem>>
        %dma_start3A_177 = tpu.memref_squeeze %dma_start3A_176 : memref<1x128xi32, #tpu.memory_space<vmem>> -> memref<128xi32, #tpu.memory_space<vmem>>
        %dma_start3A_178 = arith.constant 0 : i32
        %dma_start3A_179 = arith.constant 0 : i32
        %dma_start3A_180 = tpu.memref_slice %arg4[%dma_start3A_178, %dma_start3A_179] : memref<10000x128xf32, #tpu.memory_space<hbm>> -> memref<10000x128xf32, #tpu.memory_space<hbm>>
        tpu.enqueue_indirect_dma source(%dma_start3A_180 : memref<10000x128xf32, #tpu.memory_space<hbm>>) target(%dma_start3A_174 : memref<128x128xf32, #tpu.memory_space<vmem>>) offsets(%dma_start3A_177 : memref<128xi32, #tpu.memory_space<vmem>>) semaphore(%arg11 : memref<!tpu.dma_semaphore, #tpu.memory_space<semaphore_mem>>)
      } else {
      }
      %ge3A = arith.constant 40 : i32
      %ge3A_125 = arith.cmpi sge, %add3A_122, %ge3A : i32
      %convert_element_type3A_126 = arith.extui %ge3A_125 : i1 to i32
      %cond3A_127 = arith.constant 0 : i32
      %cond3A_128 = arith.cmpi ne, %convert_element_type3A_126, %cond3A_127 : i32
      scf.if %cond3A_128 {
        %add3A_129 = arith.constant 0 : i32
        %add3A_130 = arith.addi %mul3A_69, %add3A_129 : i32
        %dma_wait3A_131 = arith.constant 0 : i32
        %dma_wait3A_132 = arith.constant 0 : i32
        %dma_wait3A_133 = arith.constant 0 : i32
        %dma_wait3A_134 = tpu.memref_slice %arg8[%dma_wait3A_131, %dma_wait3A_132, %dma_wait3A_133] : memref<2x128x128xf32, #tpu.memory_space<vmem>> -> memref<1x128x128xf32, #tpu.memory_space<vmem>>
        %dma_wait3A_135 = tpu.memref_squeeze %dma_wait3A_134 : memref<1x128x128xf32, #tpu.memory_space<vmem>> -> memref<128x128xf32, #tpu.memory_space<vmem>>
        %dma_wait3A_136 = arith.constant 0 : i32
        %dma_wait3A_137 = tpu.memref_slice %arg7[%add3A_130, %dma_wait3A_136] : memref<40x128xi32, #tpu.memory_space<vmem>> -> memref<1x128xi32, #tpu.memory_space<vmem>>
        %dma_wait3A_138 = tpu.memref_squeeze %dma_wait3A_137 : memref<1x128xi32, #tpu.memory_space<vmem>> -> memref<128xi32, #tpu.memory_space<vmem>>
        %dma_wait3A_139 = arith.constant 0 : i32
        %dma_wait3A_140 = arith.constant 0 : i32
        %dma_wait3A_141 = tpu.memref_slice %arg9[%dma_wait3A_139, %dma_wait3A_140] : memref<10240x128xf32, #tpu.memory_space<vmem_shared>> -> memref<10240x128xf32, #tpu.memory_space<vmem_shared>>
        tpu.wait_indirect_dma semaphore(%arg12 : memref<!tpu.dma_semaphore, #tpu.memory_space<semaphore_mem>>) src(%dma_wait3A_135 : memref<128x128xf32, #tpu.memory_space<vmem>>) dst(%dma_wait3A_141 : memref<10240x128xf32, #tpu.memory_space<vmem_shared>>)
        %add3A_142 = arith.constant 1 : i32
        %add3A_143 = arith.addi %mul3A_69, %add3A_142 : i32
        %dma_wait3A_144 = arith.constant 1 : i32
        %dma_wait3A_145 = arith.constant 0 : i32
        %dma_wait3A_146 = arith.constant 0 : i32
        %dma_wait3A_147 = tpu.memref_slice %arg8[%dma_wait3A_144, %dma_wait3A_145, %dma_wait3A_146] : memref<2x128x128xf32, #tpu.memory_space<vmem>> -> memref<1x128x128xf32, #tpu.memory_space<vmem>>
        %dma_wait3A_148 = tpu.memref_squeeze %dma_wait3A_147 : memref<1x128x128xf32, #tpu.memory_space<vmem>> -> memref<128x128xf32, #tpu.memory_space<vmem>>
        %dma_wait3A_149 = arith.constant 0 : i32
        %dma_wait3A_150 = tpu.memref_slice %arg7[%add3A_143, %dma_wait3A_149] : memref<40x128xi32, #tpu.memory_space<vmem>> -> memref<1x128xi32, #tpu.memory_space<vmem>>
        %dma_wait3A_151 = tpu.memref_squeeze %dma_wait3A_150 : memref<1x128xi32, #tpu.memory_space<vmem>> -> memref<128xi32, #tpu.memory_space<vmem>>
        %dma_wait3A_152 = arith.constant 0 : i32
        %dma_wait3A_153 = arith.constant 0 : i32
        %dma_wait3A_154 = tpu.memref_slice %arg9[%dma_wait3A_152, %dma_wait3A_153] : memref<10240x128xf32, #tpu.memory_space<vmem_shared>> -> memref<10240x128xf32, #tpu.memory_space<vmem_shared>>
        tpu.wait_indirect_dma semaphore(%arg13 : memref<!tpu.dma_semaphore, #tpu.memory_space<semaphore_mem>>) src(%dma_wait3A_148 : memref<128x128xf32, #tpu.memory_space<vmem>>) dst(%dma_wait3A_154 : memref<10240x128xf32, #tpu.memory_space<vmem_shared>>)
      } else {
      }
    }
    %scan3A_58 = arith.constant 20 : i32
    %barrier3A_59 = arith.constant 0 : index
    tpu.barrier barrier_id(%barrier3A_59)
    %mul3A_60 = arith.constant 640 : i32
    %mul3A_61 = arith.muli %arg1, %mul3A_60 : i32
    %mul3A_62 = arith.constant 10240 : i32
    %mul3A_63 = arith.muli %arg0, %mul3A_62 : i32
    %mul3A_64 = arith.constant 640 : i32
    %mul3A_65 = arith.muli %arg1, %mul3A_64 : i32
    %add3A_66 = arith.addi %mul3A_63, %mul3A_65 : i32
    "tpu.region"() ({
      %run_scoped3A_67 = tpu.sem_alloc : memref<!tpu.dma_semaphore, #tpu.memory_space<semaphore_mem>>
      %dma_start3A_68 = arith.constant 0 : i32
      %dma_start3A_69 = tpu.memref_slice %arg5[%add3A_66, %dma_start3A_68] : memref<20480x128xf32, #tpu.memory_space<hbm>> -> memref<640x128xf32, #tpu.memory_space<hbm>>
      %dma_start3A_70 = arith.constant 0 : i32
      %dma_start3A_71 = tpu.memref_slice %arg9[%mul3A_61, %dma_start3A_70] : memref<10240x128xf32, #tpu.memory_space<vmem_shared>> -> memref<640x128xf32, #tpu.memory_space<vmem_shared>>
      tpu.enqueue_dma source(%dma_start3A_71 : memref<640x128xf32, #tpu.memory_space<vmem_shared>>) target(%dma_start3A_69 : memref<640x128xf32, #tpu.memory_space<hbm>>) target_semaphore(%run_scoped3A_67 : memref<!tpu.dma_semaphore, #tpu.memory_space<semaphore_mem>>)
      %dma_wait3A = arith.constant 0 : i32
      %dma_wait3A_72 = tpu.memref_slice %arg5[%add3A_66, %dma_wait3A] : memref<20480x128xf32, #tpu.memory_space<hbm>> -> memref<640x128xf32, #tpu.memory_space<hbm>>
      %dma_wait3A_73 = arith.constant 0 : i32
      %dma_wait3A_74 = tpu.memref_slice %arg9[%mul3A_61, %dma_wait3A_73] : memref<10240x128xf32, #tpu.memory_space<vmem_shared>> -> memref<640x128xf32, #tpu.memory_space<vmem_shared>>
      tpu.wait_dma2 semaphore(%run_scoped3A_67 : memref<!tpu.dma_semaphore, #tpu.memory_space<semaphore_mem>>) src(%dma_wait3A_74 : memref<640x128xf32, #tpu.memory_space<vmem_shared>>) dst(%dma_wait3A_72 : memref<640x128xf32, #tpu.memory_space<hbm>>)
      tpu.yield
    }) : () -> ()
    return
  }
}

module attributes {stable_mosaic.version = 14 : i64} {
  func.func @_pre_body(%arg0: i32, %arg1: memref<2000x32xf32, #tpu.memory_space<vmem>>, %arg2: memref<2000x128xf32, #tpu.memory_space<vmem>>, %arg3: memref<128x128xf32, #tpu.memory_space<vmem>>, %arg4: memref<2000x128xf32, #tpu.memory_space<vmem>>, %arg5: memref<2000x1xf32, #tpu.memory_space<vmem>>) attributes {dimension_semantics = [#tpu.dimension_semantics<arbitrary>], iteration_bounds = array<i64: 5>, scalar_prefetch = 0 : i64, scratch_operands = 0 : i64, tpu.core_type = #tpu.core_type<tc>, window_params = [{transform_indices = @transform_0, window_bounds = array<i64: 2000, 32>}, {transform_indices = @transform_1, window_bounds = array<i64: 2000, 128>}, {pipeline_mode = #tpu.pipeline_mode<synchronous>, transform_indices = @transform_2, window_bounds = array<i64: 128, 128>}, {transform_indices = @transform_3, window_bounds = array<i64: 2000, 128>}, {transform_indices = @transform_4, window_bounds = array<i64: 2000, 1>}]} {
    %get3A = arith.constant 0 : index
    %get3A_0 = arith.constant 0 : index
    %get3A_1 = vector.load %arg1[%get3A, %get3A_0] : memref<2000x32xf32, #tpu.memory_space<vmem>>, vector<2000x32xf32>
    %reduce_sum3A = arith.constant dense<0.000000e+00> : vector<2000xf32>
    %reduce_sum3A_2 = vector.multi_reduction <add>, %get3A_1, %reduce_sum3A [1] : vector<2000x32xf32> to vector<2000xf32>
    %broadcast_in_dim3A = vector.shape_cast %reduce_sum3A_2 : vector<2000xf32> to vector<2000x1xf32>
    %add3A = arith.constant 1.000000e+00 : f32
    %add3A_3 = vector.broadcast %add3A : f32 to vector<2000x1xf32>
    %add3A_4 = arith.addf %broadcast_in_dim3A, %add3A_3 : vector<2000x1xf32>
    %rsqrt3A = math.rsqrt %add3A_4 : vector<2000x1xf32>
    %swap3A = arith.constant 0 : index
    %swap3A_5 = arith.constant 0 : index
    %swap3A_6 = vector.load %arg5[%swap3A, %swap3A_5] : memref<2000x1xf32, #tpu.memory_space<vmem>>, vector<2000x1xf32>
    tpu.vector_store %arg5[%swap3A, %swap3A_5], %rsqrt3A {strides = array<i32>} : memref<2000x1xf32, #tpu.memory_space<vmem>>, vector<2000x1xf32>,
    %get3A_7 = arith.constant 0 : index
    %get3A_8 = arith.constant 0 : index
    %get3A_9 = vector.load %arg2[%get3A_7, %get3A_8] : memref<2000x128xf32, #tpu.memory_space<vmem>>, vector<2000x128xf32>
    %get3A_10 = arith.constant 0 : index
    %get3A_11 = arith.constant 0 : index
    %get3A_12 = vector.load %arg3[%get3A_10, %get3A_11] : memref<128x128xf32, #tpu.memory_space<vmem>>, vector<128x128xf32>
    %dot_general3A = arith.constant dense<0.000000e+00> : vector<2000x128xf32>
    %dot_general3A_13 = tpu.matmul %get3A_9, %get3A_12, %dot_general3A {dimension_numbers = #tpu.dot_dimension_numbers<[1], [0], [0], [1], [0, 0, 1, 1], [], []>, transpose_lhs_hint = false} : vector<2000x128xf32>, vector<128x128xf32>, vector<2000x128xf32> -> vector<2000x128xf32>
    %mul3A = vector.broadcast %rsqrt3A : vector<2000x1xf32> to vector<2000x128xf32>
    %mul3A_14 = arith.mulf %dot_general3A_13, %mul3A : vector<2000x128xf32>
    %swap3A_15 = arith.constant 0 : index
    %swap3A_16 = arith.constant 0 : index
    %swap3A_17 = vector.load %arg4[%swap3A_15, %swap3A_16] : memref<2000x128xf32, #tpu.memory_space<vmem>>, vector<2000x128xf32>
    tpu.vector_store %arg4[%swap3A_15, %swap3A_16], %mul3A_14 {strides = array<i32>} : memref<2000x128xf32, #tpu.memory_space<vmem>>, vector<2000x128xf32>,
    return
  }
  func.func @transform_0(%arg0: i32) -> (i32, i32) {
    %c0_i32 = arith.constant 0 : i32
    %c0_i32_0 = arith.constant 0 : i32
    return %arg0, %c0_i32 : i32, i32
  }
  func.func @transform_1(%arg0: i32) -> (i32, i32) {
    %c0_i32 = arith.constant 0 : i32
    %c0_i32_0 = arith.constant 0 : i32
    return %arg0, %c0_i32 : i32, i32
  }
  func.func @transform_2(%arg0: i32) -> (i32, i32) {
    %c0_i32 = arith.constant 0 : i32
    %c0_i32_0 = arith.constant 0 : i32
    %c0_i32_1 = arith.constant 0 : i32
    return %c0_i32, %c0_i32_0 : i32, i32
  }
  func.func @transform_3(%arg0: i32) -> (i32, i32) {
    %c0_i32 = arith.constant 0 : i32
    %c0_i32_0 = arith.constant 0 : i32
    return %arg0, %c0_i32 : i32, i32
  }
  func.func @transform_4(%arg0: i32) -> (i32, i32) {
    %c0_i32 = arith.constant 0 : i32
    %c0_i32_0 = arith.constant 0 : i32
    return %arg0, %c0_i32 : i32, i32
  }
}

module attributes {stable_mosaic.version = 14 : i64} {
  func.func @_b1_body(%arg0: i32, %arg1: memref<2x2000x128xf32, #tpu.memory_space<vmem>>, %arg2: memref<2000x128xf32, #tpu.memory_space<vmem>>, %arg3: memref<2000x1xf32, #tpu.memory_space<vmem>>, %arg4: memref<1x128xf32, #tpu.memory_space<vmem>>, %arg5: memref<128x128xf32, #tpu.memory_space<vmem>>, %arg6: memref<1x128xf32, #tpu.memory_space<vmem>>, %arg7: memref<2000x128xf32, #tpu.memory_space<vmem>>, %arg8: memref<1x128xf32, #tpu.memory_space<vmem>>) attributes {dimension_semantics = [#tpu.dimension_semantics<arbitrary>], iteration_bounds = array<i64: 5>, scalar_prefetch = 0 : i64, scratch_operands = 0 : i64, tpu.core_type = #tpu.core_type<tc>, window_params = [{transform_indices = @transform_0, window_bounds = array<i64: 2, 2000, 128>}, {transform_indices = @transform_1, window_bounds = array<i64: 2000, 128>}, {transform_indices = @transform_2, window_bounds = array<i64: 2000, 1>}, {pipeline_mode = #tpu.pipeline_mode<synchronous>, transform_indices = @transform_3, window_bounds = array<i64: 1, 128>}, {pipeline_mode = #tpu.pipeline_mode<synchronous>, transform_indices = @transform_4, window_bounds = array<i64: 128, 128>}, {pipeline_mode = #tpu.pipeline_mode<synchronous>, transform_indices = @transform_5, window_bounds = array<i64: 1, 128>}, {transform_indices = @transform_6, window_bounds = array<i64: 2000, 128>}, {pipeline_mode = #tpu.pipeline_mode<synchronous>, transform_indices = @transform_7, window_bounds = array<i64: 1, 128>}]} {
    %get3A = arith.constant 0 : index
    %get3A_0 = arith.constant 0 : index
    %get3A_1 = arith.constant 0 : index
    %get3A_2 = vector.load %arg1[%get3A, %get3A_0, %get3A_1] : memref<2x2000x128xf32, #tpu.memory_space<vmem>>, vector<1x2000x128xf32>
    %get3A_3 = vector.shape_cast %get3A_2 : vector<1x2000x128xf32> to vector<2000x128xf32>
    %get3A_4 = arith.constant 1 : index
    %get3A_5 = arith.constant 0 : index
    %get3A_6 = arith.constant 0 : index
    %get3A_7 = vector.load %arg1[%get3A_4, %get3A_5, %get3A_6] : memref<2x2000x128xf32, #tpu.memory_space<vmem>>, vector<1x2000x128xf32>
    %get3A_8 = vector.shape_cast %get3A_7 : vector<1x2000x128xf32> to vector<2000x128xf32>
    %add3A = arith.addf %get3A_3, %get3A_8 : vector<2000x128xf32>
    %get3A_9 = arith.constant 0 : index
    %get3A_10 = arith.constant 0 : index
    %get3A_11 = vector.load %arg2[%get3A_9, %get3A_10] : memref<2000x128xf32, #tpu.memory_space<vmem>>, vector<2000x128xf32>
    %add3A_12 = arith.addf %add3A, %get3A_11 : vector<2000x128xf32>
    %get3A_13 = arith.constant 0 : index
    %get3A_14 = arith.constant 0 : index
    %get3A_15 = vector.load %arg3[%get3A_13, %get3A_14] : memref<2000x1xf32, #tpu.memory_space<vmem>>, vector<2000x1xf32>
    %mul3A = vector.broadcast %get3A_15 : vector<2000x1xf32> to vector<2000x128xf32>
    %mul3A_16 = arith.mulf %mul3A, %add3A_12 : vector<2000x128xf32>
    %get3A_17 = arith.constant 0 : index
    %get3A_18 = arith.constant 0 : index
    %get3A_19 = vector.load %arg4[%get3A_17, %get3A_18] : memref<1x128xf32, #tpu.memory_space<vmem>>, vector<1x128xf32>
    %add3A_20 = vector.broadcast %get3A_19 : vector<1x128xf32> to vector<2000x128xf32>
    %add3A_21 = arith.addf %mul3A_16, %add3A_20 : vector<2000x128xf32>
    %max3A = arith.constant 0.000000e+00 : f32
    %max3A_22 = vector.broadcast %max3A : f32 to vector<2000x128xf32>
    %max3A_23 = arith.maximumf %add3A_21, %max3A_22 : vector<2000x128xf32>
    %get3A_24 = arith.constant 0 : index
    %get3A_25 = arith.constant 0 : index
    %get3A_26 = vector.load %arg5[%get3A_24, %get3A_25] : memref<128x128xf32, #tpu.memory_space<vmem>>, vector<128x128xf32>
    %dot_general3A = arith.constant dense<0.000000e+00> : vector<2000x128xf32>
    %dot_general3A_27 = tpu.matmul %max3A_23, %get3A_26, %dot_general3A {dimension_numbers = #tpu.dot_dimension_numbers<[1], [0], [0], [1], [0, 0, 1, 1], [], []>, transpose_lhs_hint = false} : vector<2000x128xf32>, vector<128x128xf32>, vector<2000x128xf32> -> vector<2000x128xf32>
    %get3A_28 = arith.constant 0 : index
    %get3A_29 = arith.constant 0 : index
    %get3A_30 = vector.load %arg6[%get3A_28, %get3A_29] : memref<1x128xf32, #tpu.memory_space<vmem>>, vector<1x128xf32>
    %add3A_31 = vector.broadcast %get3A_30 : vector<1x128xf32> to vector<2000x128xf32>
    %add3A_32 = arith.addf %dot_general3A_27, %add3A_31 : vector<2000x128xf32>
    %max3A_33 = arith.constant 0.000000e+00 : f32
    %max3A_34 = vector.broadcast %max3A_33 : f32 to vector<2000x128xf32>
    %max3A_35 = arith.maximumf %add3A_32, %max3A_34 : vector<2000x128xf32>
    %swap3A = arith.constant 0 : index
    %swap3A_36 = arith.constant 0 : index
    %swap3A_37 = vector.load %arg7[%swap3A, %swap3A_36] : memref<2000x128xf32, #tpu.memory_space<vmem>>, vector<2000x128xf32>
    tpu.vector_store %arg7[%swap3A, %swap3A_36], %max3A_35 {strides = array<i32>} : memref<2000x128xf32, #tpu.memory_space<vmem>>, vector<2000x128xf32>,
    %reduce_sum3A = arith.constant dense<0.000000e+00> : vector<128xf32>
    %reduce_sum3A_38 = vector.multi_reduction <add>, %max3A_35, %reduce_sum3A [0] : vector<2000x128xf32> to vector<128xf32>
    %broadcast_in_dim3A = vector.shape_cast %reduce_sum3A_38 : vector<128xf32> to vector<1x128xf32>
    %eq3A = arith.constant 0 : i32
    %eq3A_39 = arith.cmpi eq, %arg0, %eq3A : i32
    %convert_element_type3A = arith.extui %eq3A_39 : i1 to i32
    %cond3A = arith.constant 0 : i32
    %cond3A_40 = arith.cmpi ne, %convert_element_type3A, %cond3A : i32
    scf.if %cond3A_40 {
      %swap3A_45 = arith.constant 0 : index
      %swap3A_46 = arith.constant 0 : index
      %swap3A_47 = vector.load %arg8[%swap3A_45, %swap3A_46] : memref<1x128xf32, #tpu.memory_space<vmem>>, vector<1x128xf32>
      tpu.vector_store %arg8[%swap3A_45, %swap3A_46], %broadcast_in_dim3A {strides = array<i32>} : memref<1x128xf32, #tpu.memory_space<vmem>>, vector<1x128xf32>,
    } else {
    }
    %gt3A = arith.constant 0 : i32
    %gt3A_41 = arith.cmpi sgt, %arg0, %gt3A : i32
    %convert_element_type3A_42 = arith.extui %gt3A_41 : i1 to i32
    %cond3A_43 = arith.constant 0 : i32
    %cond3A_44 = arith.cmpi ne, %convert_element_type3A_42, %cond3A_43 : i32
    scf.if %cond3A_44 {
      %get3A_45 = arith.constant 0 : index
      %get3A_46 = arith.constant 0 : index
      %get3A_47 = vector.load %arg8[%get3A_45, %get3A_46] : memref<1x128xf32, #tpu.memory_space<vmem>>, vector<1x128xf32>
      %add3A_48 = arith.addf %get3A_47, %broadcast_in_dim3A : vector<1x128xf32>
      %swap3A_49 = arith.constant 0 : index
      %swap3A_50 = arith.constant 0 : index
      %swap3A_51 = vector.load %arg8[%swap3A_49, %swap3A_50] : memref<1x128xf32, #tpu.memory_space<vmem>>, vector<1x128xf32>
      tpu.vector_store %arg8[%swap3A_49, %swap3A_50], %add3A_48 {strides = array<i32>} : memref<1x128xf32, #tpu.memory_space<vmem>>, vector<1x128xf32>,
    } else {
    }
    return
  }
  func.func @transform_0(%arg0: i32) -> (i32, i32, i32) {
    %c0_i32 = arith.constant 0 : i32
    %c0_i32_0 = arith.constant 0 : i32
    %c0_i32_1 = arith.constant 0 : i32
    return %c0_i32, %arg0, %c0_i32_0 : i32, i32, i32
  }
  func.func @transform_1(%arg0: i32) -> (i32, i32) {
    %c0_i32 = arith.constant 0 : i32
    %c0_i32_0 = arith.constant 0 : i32
    return %arg0, %c0_i32 : i32, i32
  }
  func.func @transform_2(%arg0: i32) -> (i32, i32) {
    %c0_i32 = arith.constant 0 : i32
    %c0_i32_0 = arith.constant 0 : i32
    return %arg0, %c0_i32 : i32, i32
  }
  func.func @transform_3(%arg0: i32) -> (i32, i32) {
    %c0_i32 = arith.constant 0 : i32
    %c0_i32_0 = arith.constant 0 : i32
    %c0_i32_1 = arith.constant 0 : i32
    return %c0_i32, %c0_i32_0 : i32, i32
  }
  func.func @transform_4(%arg0: i32) -> (i32, i32) {
    %c0_i32 = arith.constant 0 : i32
    %c0_i32_0 = arith.constant 0 : i32
    %c0_i32_1 = arith.constant 0 : i32
    return %c0_i32, %c0_i32_0 : i32, i32
  }
  func.func @transform_5(%arg0: i32) -> (i32, i32) {
    %c0_i32 = arith.constant 0 : i32
    %c0_i32_0 = arith.constant 0 : i32
    %c0_i32_1 = arith.constant 0 : i32
    return %c0_i32, %c0_i32_0 : i32, i32
  }
  func.func @transform_6(%arg0: i32) -> (i32, i32) {
    %c0_i32 = arith.constant 0 : i32
    %c0_i32_0 = arith.constant 0 : i32
    return %arg0, %c0_i32 : i32, i32
  }
  func.func @transform_7(%arg0: i32) -> (i32, i32) {
    %c0_i32 = arith.constant 0 : i32
    %c0_i32_0 = arith.constant 0 : i32
    %c0_i32_1 = arith.constant 0 : i32
    return %c0_i32, %c0_i32_0 : i32, i32
  }
}

module attributes {stable_mosaic.version = 14 : i64} {
  func.func @_b2_body(%arg0: i32, %arg1: memref<2000x128xf32, #tpu.memory_space<vmem>>, %arg2: memref<128x128xf32, #tpu.memory_space<vmem>>, %arg3: memref<128x128xf32, #tpu.memory_space<vmem>>, %arg4: memref<1x128xf32, #tpu.memory_space<vmem>>, %arg5: memref<1x128xf32, #tpu.memory_space<vmem>>, %arg6: memref<128x1xf32, #tpu.memory_space<vmem>>, %arg7: memref<128x128xf32, #tpu.memory_space<vmem>>, %arg8: memref<1x128xf32, #tpu.memory_space<vmem>>, %arg9: memref<2000x1xf32, #tpu.memory_space<vmem>>) attributes {dimension_semantics = [#tpu.dimension_semantics<arbitrary>], iteration_bounds = array<i64: 5>, scalar_prefetch = 0 : i64, scratch_operands = 0 : i64, tpu.core_type = #tpu.core_type<tc>, window_params = [{transform_indices = @transform_0, window_bounds = array<i64: 2000, 128>}, {pipeline_mode = #tpu.pipeline_mode<synchronous>, transform_indices = @transform_1, window_bounds = array<i64: 128, 128>}, {pipeline_mode = #tpu.pipeline_mode<synchronous>, transform_indices = @transform_2, window_bounds = array<i64: 128, 128>}, {pipeline_mode = #tpu.pipeline_mode<synchronous>, transform_indices = @transform_3, window_bounds = array<i64: 1, 128>}, {pipeline_mode = #tpu.pipeline_mode<synchronous>, transform_indices = @transform_4, window_bounds = array<i64: 1, 128>}, {pipeline_mode = #tpu.pipeline_mode<synchronous>, transform_indices = @transform_5, window_bounds = array<i64: 128, 1>}, {pipeline_mode = #tpu.pipeline_mode<synchronous>, transform_indices = @transform_6, window_bounds = array<i64: 128, 128>}, {pipeline_mode = #tpu.pipeline_mode<synchronous>, transform_indices = @transform_7, window_bounds = array<i64: 1, 128>}, {transform_indices = @transform_8, window_bounds = array<i64: 2000, 1>}]} {
    %get3A = arith.constant 0 : index
    %get3A_0 = arith.constant 0 : index
    %get3A_1 = vector.load %arg5[%get3A, %get3A_0] : memref<1x128xf32, #tpu.memory_space<vmem>>, vector<1x128xf32>
    %mul3A = arith.constant 9.99999974E-5 : f32
    %mul3A_2 = vector.broadcast %mul3A : f32 to vector<1x128xf32>
    %mul3A_3 = arith.mulf %get3A_1, %mul3A_2 : vector<1x128xf32>
    %get3A_4 = arith.constant 0 : index
    %get3A_5 = arith.constant 0 : index
    %get3A_6 = vector.load %arg3[%get3A_4, %get3A_5] : memref<128x128xf32, #tpu.memory_space<vmem>>, vector<128x128xf32>
    %dot_general3A = arith.constant dense<0.000000e+00> : vector<1x128xf32>
    %dot_general3A_7 = tpu.matmul %mul3A_3, %get3A_6, %dot_general3A {dimension_numbers = #tpu.dot_dimension_numbers<[1], [0], [0], [1], [0, 0, 1, 1], [], []>, transpose_lhs_hint = false} : vector<1x128xf32>, vector<128x128xf32>, vector<1x128xf32> -> vector<1x128xf32>
    %get3A_8 = arith.constant 0 : index
    %get3A_9 = arith.constant 0 : index
    %get3A_10 = vector.load %arg4[%get3A_8, %get3A_9] : memref<1x128xf32, #tpu.memory_space<vmem>>, vector<1x128xf32>
    %add3A = arith.addf %dot_general3A_7, %get3A_10 : vector<1x128xf32>
    %get3A_11 = arith.constant 0 : index
    %get3A_12 = arith.constant 0 : index
    %get3A_13 = vector.load %arg1[%get3A_11, %get3A_12] : memref<2000x128xf32, #tpu.memory_space<vmem>>, vector<2000x128xf32>
    %get3A_14 = arith.constant 0 : index
    %get3A_15 = arith.constant 0 : index
    %get3A_16 = vector.load %arg2[%get3A_14, %get3A_15] : memref<128x128xf32, #tpu.memory_space<vmem>>, vector<128x128xf32>
    %dot_general3A_17 = arith.constant dense<0.000000e+00> : vector<2000x128xf32>
    %dot_general3A_18 = tpu.matmul %get3A_13, %get3A_16, %dot_general3A_17 {dimension_numbers = #tpu.dot_dimension_numbers<[1], [0], [0], [1], [0, 0, 1, 1], [], []>, transpose_lhs_hint = false} : vector<2000x128xf32>, vector<128x128xf32>, vector<2000x128xf32> -> vector<2000x128xf32>
    %add3A_19 = vector.broadcast %add3A : vector<1x128xf32> to vector<2000x128xf32>
    %add3A_20 = arith.addf %dot_general3A_18, %add3A_19 : vector<2000x128xf32>
    %max3A = arith.constant 0.000000e+00 : f32
    %max3A_21 = vector.broadcast %max3A : f32 to vector<2000x128xf32>
    %max3A_22 = arith.maximumf %add3A_20, %max3A_21 : vector<2000x128xf32>
    %get3A_23 = arith.constant 0 : index
    %get3A_24 = arith.constant 0 : index
    %get3A_25 = vector.load %arg7[%get3A_23, %get3A_24] : memref<128x128xf32, #tpu.memory_space<vmem>>, vector<128x128xf32>
    %dot_general3A_26 = arith.constant dense<0.000000e+00> : vector<2000x128xf32>
    %dot_general3A_27 = tpu.matmul %max3A_22, %get3A_25, %dot_general3A_26 {dimension_numbers = #tpu.dot_dimension_numbers<[1], [0], [0], [1], [0, 0, 1, 1], [], []>, transpose_lhs_hint = false} : vector<2000x128xf32>, vector<128x128xf32>, vector<2000x128xf32> -> vector<2000x128xf32>
    %get3A_28 = arith.constant 0 : index
    %get3A_29 = arith.constant 0 : index
    %get3A_30 = vector.load %arg8[%get3A_28, %get3A_29] : memref<1x128xf32, #tpu.memory_space<vmem>>, vector<1x128xf32>
    %add3A_31 = vector.broadcast %get3A_30 : vector<1x128xf32> to vector<2000x128xf32>
    %add3A_32 = arith.addf %dot_general3A_27, %add3A_31 : vector<2000x128xf32>
    %get3A_33 = arith.constant 0 : index
    %get3A_34 = arith.constant 0 : index
    %get3A_35 = vector.load %arg6[%get3A_33, %get3A_34] : memref<128x1xf32, #tpu.memory_space<vmem>>, vector<128x1xf32>
    %dot_general3A_36 = arith.constant dense<0.000000e+00> : vector<2000x1xf32>
    %dot_general3A_37 = tpu.matmul %add3A_32, %get3A_35, %dot_general3A_36 {dimension_numbers = #tpu.dot_dimension_numbers<[1], [0], [0], [1], [0, 0, 1, 1], [], []>, transpose_lhs_hint = false} : vector<2000x128xf32>, vector<128x1xf32>, vector<2000x1xf32> -> vector<2000x1xf32>
    %swap3A = arith.constant 0 : index
    %swap3A_38 = arith.constant 0 : index
    %swap3A_39 = vector.load %arg9[%swap3A, %swap3A_38] : memref<2000x1xf32, #tpu.memory_space<vmem>>, vector<2000x1xf32>
    tpu.vector_store %arg9[%swap3A, %swap3A_38], %dot_general3A_37 {strides = array<i32>} : memref<2000x1xf32, #tpu.memory_space<vmem>>, vector<2000x1xf32>,
    return
  }
  func.func @transform_0(%arg0: i32) -> (i32, i32) {
    %c0_i32 = arith.constant 0 : i32
    %c0_i32_0 = arith.constant 0 : i32
    return %arg0, %c0_i32 : i32, i32
  }
  func.func @transform_1(%arg0: i32) -> (i32, i32) {
    %c0_i32 = arith.constant 0 : i32
    %c0_i32_0 = arith.constant 0 : i32
    %c0_i32_1 = arith.constant 0 : i32
    return %c0_i32, %c0_i32_0 : i32, i32
  }
  func.func @transform_2(%arg0: i32) -> (i32, i32) {
    %c0_i32 = arith.constant 0 : i32
    %c0_i32_0 = arith.constant 0 : i32
    %c0_i32_1 = arith.constant 0 : i32
    return %c0_i32, %c0_i32_0 : i32, i32
  }
  func.func @transform_3(%arg0: i32) -> (i32, i32) {
    %c0_i32 = arith.constant 0 : i32
    %c0_i32_0 = arith.constant 0 : i32
    %c0_i32_1 = arith.constant 0 : i32
    return %c0_i32, %c0_i32_0 : i32, i32
  }
  func.func @transform_4(%arg0: i32) -> (i32, i32) {
    %c0_i32 = arith.constant 0 : i32
    %c0_i32_0 = arith.constant 0 : i32
    %c0_i32_1 = arith.constant 0 : i32
    return %c0_i32, %c0_i32_0 : i32, i32
  }
  func.func @transform_5(%arg0: i32) -> (i32, i32) {
    %c0_i32 = arith.constant 0 : i32
    %c0_i32_0 = arith.constant 0 : i32
    %c0_i32_1 = arith.constant 0 : i32
    return %c0_i32, %c0_i32_0 : i32, i32
  }
  func.func @transform_6(%arg0: i32) -> (i32, i32) {
    %c0_i32 = arith.constant 0 : i32
    %c0_i32_0 = arith.constant 0 : i32
    %c0_i32_1 = arith.constant 0 : i32
    return %c0_i32, %c0_i32_0 : i32, i32
  }
  func.func @transform_7(%arg0: i32) -> (i32, i32) {
    %c0_i32 = arith.constant 0 : i32
    %c0_i32_0 = arith.constant 0 : i32
    %c0_i32_1 = arith.constant 0 : i32
    return %c0_i32, %c0_i32_0 : i32, i32
  }
  func.func @transform_8(%arg0: i32) -> (i32, i32) {
    %c0_i32 = arith.constant 0 : i32
    %c0_i32_0 = arith.constant 0 : i32
    return %arg0, %c0_i32 : i32, i32
  }
}

</mosaic_0001>

<sc_bundles>
// kernel: kernel.10.cloned.1.call-start
scs
__scs_entry_jumppad:
0x0: {  	(pc) =	sbr.rel $0x88, $3  }
0x1: {  	(tag) =	ssettag $0x0;
	lr =	simm.s32 $0x1  }
0x2: {  	[smem:$0x3F96] =	sst lr;
	_ =	strace $0xD0000000  }
0x3: {  	_ = 	snop  }
0x4: {  	_ = 	snop  }
0x5: {  	_ = 	snop  }
0x6: {  	_ = 	snop  }
0x7: {  	_ = 	snop  }
__scs_overlays_trampoline_lowered:
0x8: {  	[smem:$0x3FA5] =	sst s0  }
0x9: {  	[smem:$0x3FA6] =	sst s1  }
0xa: {  	[smem:$0x3FA7] =	sst s2  }
0xb: {  	[smem:$0x3FA8] =	sst s3  }
0xc: {  	[smem:$0x3FA9] =	sst s4  }
0xd: {  	[smem:$0x3FAA] =	sst s5  }
0xe: {  	[smem:$0x3FAB] =	sst s6  }
0xf: {  	[smem:$0x3FAC] =	sst s7  }
0x10: {  	[smem:$0x3FAD] =	sst s8  }
0x11: {  	[smem:$0x3FAE] =	sst s9;
	s0 =	simm.s32 @!p0 $0x0  }
0x12: {  	s1 =	sld [smem:$0x3F94];
	s0 =	simm.s32 @p0 $0x1  }
0x13: {  	[smem:$0x3FAF] =	sst s0;
	s0 =	simm.s32 @!p1 $0x0  }
0x14: {  	s2 =	sld [smem:$0x3F93];
	s0 =	simm.s32 @p1 $0x1  }
0x15: {  	[smem:$0x3FB0] =	sst s0;
	s0 =	simm.s32 @!p2 $0x0  }
0x16: {  	s3 =	sld [smem:$0x3FDB];
	s0 =	simm.s32 @p2 $0x1  }
0x17: {  	s4 =	simm.s32 $0x1BF5;
	[smem:$0x3FB2] =	sst s0  }
0x18: {  	s0 =	sld [smem:$0x3F95];
	_ =	swait.ge [sflag:s4], $0x0  }
0x19: {  	s7 =	sld [smem:$0x3F96]  }
0x1a: {  	s8 =	sadd.s32 $0xFFFFE003, lr  }
0x1b: {  	s9 =	sadd.s32 $0xFFFFFEF7, lr;
	s5 =	simm.s32 $0xFFFFFFFF;
	p2 =	slt.u32 s8, $0xFFFFF086  }
0x1c: {  	p1 =	slt.u32 s9, $0xF7A;
	s5 =	simm.s32 @!p2 $0x0  }
0x1d: {  	s5 =	simm.s32 @p1 $0x1;
	p0 =	seq.s32 s7, s2  }
0x1e: {  	s7 =	smul.u32 @!p0 $0xF7A, s2;
	p2 =	seq.s32 @!p0 s5, $0x0  }
0x1f: {  	s9 =	smul.u32 $0xF7A, s1;
	s8 =	simm.s32 @!p0 $0x1BF5;
	p2 =	por !p2, p0  }
0x20: {  	[sflag:s8] =	ssyncset.s32 @!p0 $0xFFFFF086;
	s6 =	sadd.s32 @!p0 s3, s7;
	s7 =	simm.s32 @!p0 $0x108  }
0x21: {  	s3 =	sadd.s32 s3, s9;
	s6 =	sadd.s32 @!p0 $0x88, s6;
	s7 =	simm.s32 @p2 $0x1082  }
0x22: {  	[simem:s7], [sflag:s8] =	dma.local @!p0 [hbm:s6], $0xF7A  }
0x23: {  	s9 =	sor.u32 $0xD0000000, s2;
	s6 =	simm.s32 $0x108;
	_ =	swait.ge @!p0 [sflag:s8], $0x0  }
0x24: {  	s3 =	sadd.s32 $0x88, s3;
	s6 =	simm.s32 @!p1 $0x1082;
	[sflag:s4] =	ssyncset.s32 $0xFFFFF086  }
0x25: {  	[simem:s6], [sflag:s4] =	dma.local [hbm:s3], $0xF7A  }
0x26: {  	[smem:$0x3F96] =	sst s1;
	(tag) =	ssettag s2;
	_ =	strace s9  }
0x27: {  	s1 =	sld [smem:$0x3FA6]  }
0x28: {  	s2 =	sld [smem:$0x3FA7]  }
0x29: {  	s4 =	sld [smem:$0x3FA9]  }
0x2a: {  	p0 =	seq.s32 s5, $0x0;
	s5 =	sld [smem:$0x3FAA]  }
0x2b: {  	s6 =	sld [smem:$0x3FAB]  }
0x2c: {  	s7 =	sld [smem:$0x3FAC]  }
0x2d: {  	s3 =	simm.s32 $0x108;
	s8 =	sld [smem:$0x3FAD]  }
0x2e: {  	s3 =	simm.s32 @!p0 $0x1082;
	s9 =	sld [smem:$0x3FAE]  }
0x2f: {  	lr =	sadd.s32 s0, s3;
	s0 =	sld [smem:$0x3FA5]  }
0x30: {  	s3 =	sld [smem:$0x3FA8]  }
0x31: {  	[smem:$0x3FB1] =	sst s10  }
0x32: {  	s10 =	sld [smem:$0x3FAF];
	_ =	sdelay $0x3  }
0x33: {  	p0 =	seq.s32 s10, $0x1;
	s10 =	sld [smem:$0x3FB1];
	_ =	sdelay $0x3  }
0x34: {  	[smem:$0x3FB1] =	sst s10  }
0x35: {  	s10 =	sld [smem:$0x3FB0];
	_ =	sdelay $0x3  }
0x36: {  	p1 =	seq.s32 s10, $0x1;
	s10 =	sld [smem:$0x3FB1];
	_ =	sdelay $0x3  }
0x37: {  	[smem:$0x3FB1] =	sst s10  }
0x38: {  	s10 =	sld [smem:$0x3FB2]  }
0x39: {  	_ = 	snop;
	(pc) =	sbr.ind lr, $3  }
0x3a: {  	_ = 	snop  }
0x3b: {  	_ = 	snop  }
0x3c: {  	p2 =	seq.s32 s10, $0x1;
	s10 =	sld [smem:$0x3FB1]  }
0x3d: {  	_ =	shalt  }
0x3e: {  	_ =	shalt  }
0x3f: {  	_ =	shalt  }
0x40: {  	_ =	shalt  }
0x41: {  	_ =	shalt  }
0x42: {  	_ =	shalt  }
0x43: {  	_ =	shalt  }
0x44: {  	_ =	shalt  }
0x45: {  	_ =	shalt  }
0x46: {  	_ =	shalt  }
0x47: {  	_ =	shalt  }
0x48: {  	_ =	shalt  }
0x49: {  	_ =	shalt  }
0x4a: {  	_ =	shalt  }
0x4b: {  	_ =	shalt  }
0x4c: {  	_ =	shalt  }
0x4d: {  	_ =	shalt  }
0x4e: {  	_ =	shalt  }
0x4f: {  	_ =	shalt  }
0x50: {  	_ =	shalt  }
0x51: {  	_ =	shalt  }
0x52: {  	_ =	shalt  }
0x53: {  	_ =	shalt  }
0x54: {  	_ =	shalt  }
0x55: {  	_ =	shalt  }
0x56: {  	_ =	shalt  }
0x57: {  	_ =	shalt  }
0x58: {  	_ =	shalt  }
0x59: {  	_ =	shalt  }
0x5a: {  	_ =	shalt  }
0x5b: {  	_ =	shalt  }
0x5c: {  	_ =	shalt  }
0x5d: {  	_ =	shalt  }
0x5e: {  	_ =	shalt  }
0x5f: {  	_ =	shalt  }
0x60: {  	_ =	shalt  }
0x61: {  	_ =	shalt  }
0x62: {  	_ =	shalt  }
0x63: {  	_ =	shalt  }
0x64: {  	_ =	shalt  }
0x65: {  	_ =	shalt  }
0x66: {  	_ =	shalt  }
0x67: {  	_ =	shalt  }
0x68: {  	_ =	shalt  }
0x69: {  	_ =	shalt  }
0x6a: {  	_ =	shalt  }
0x6b: {  	_ =	shalt  }
0x6c: {  	_ =	shalt  }
0x6d: {  	_ =	shalt  }
0x6e: {  	_ =	shalt  }
0x6f: {  	_ =	shalt  }
0x70: {  	_ =	shalt  }
0x71: {  	_ =	shalt  }
0x72: {  	_ =	shalt  }
0x73: {  	_ =	shalt  }
0x74: {  	_ =	shalt  }
0x75: {  	_ =	shalt  }
0x76: {  	_ =	shalt  }
0x77: {  	_ =	shalt  }
0x78: {  	_ =	shalt  }
0x79: {  	_ =	shalt  }
0x7a: {  	_ =	shalt  }
0x7b: {  	_ =	shalt  }
0x7c: {  	_ =	shalt  }
0x7d: {  	_ =	shalt  }
0x7e: {  	_ =	shalt  }
0x7f: {  	_ =	shalt  }
0x80: {  	_ =	shalt  }
0x81: {  	_ =	shalt  }
0x82: {  	_ =	shalt  }
0x83: {  	_ =	shalt  }
0x84: {  	_ =	shalt  }
0x85: {  	_ =	shalt  }
0x86: {  	_ =	shalt  }
0x87: {  	_ =	shalt  }
.Lfunc_end0:
.L_simem_size_0:
called_computation.1_lowered:
.L_overlay_start_0:
0x88: {  	s2 =	sld [smem:$0x3FD9]  }
0x89: {  	s3 =	sld [smem:$0x3FFE];
	_ =	sdelay $0x1  }
0x8a: {  	s1 =	srdreg.scid  }
0x8b: {  	s0 =	sand.u32 $0x1, s1  }
0x8c: {  	s16 =	sshll.u32 s0, $0xA;
	s2 =	sadd.s32 s3, s2  }
0x8d: {  	s2 =	sadd.s32 s2, s16  }
0x8e: {  	[smem:$0x3FBD] =	sst s2  }
0x8f: {  	_ = 	snop  }
0x90: {  	(tm) =	ssettm $0x1  }
0x91: {  	s17 =	sld [smem:$0x3FFB];
	_ =	sdelay $0x3  }
0x92: {  	_ =	strace s17  }
0x93: {  	s2 =	sld [smem:$0x3FFC];
	_ =	sdelay $0x3  }
0x94: {  	_ =	strace s2  }
0x95: {  	s2 =	sld [smem:$0x3FFD];
	_ =	sdelay $0x3  }
0x96: {  	_ =	strace s2  }
0x97: {  	_ =	strace $0x8FFFFFFF  }
0x98: {  	s18 =	sld [smem:$0x3FDB];
	_ =	sdelay $0x1  }
0x99: {  	s19 =	simm.s32 $_scs_section_size  }
0x9a: {  	s4 =	simm.s32 $_size__tile_overlayer_lowered;
	s5 =	simm.s32 $_tile_overlayer_lowered  }
0x9b: {  	s22 =	simm.s32 $0x1BFF;
	s21 =	sshll.u32 s5, $0x1;
	s2 =	sadd.s32 s19, s18  }
0x9c: {  	s6 =	simm.s32 $0x0;
	s20 =	sshll.u32 s4, $0x1;
	s4 =	sadd.s32 s21, s2  }
0x9d: {  	[timem:s6], [sflag:s22] =	dma.local [hbm:s4], s20  }
0x9e: {  	_ =	swait.ge [sflag:s22], s20  }
0x9f: {  	s3 =	ssub.s32 $0x0, s20;
	[sflag:s22] =	ssyncset.done $0x0  }
0xa0: {  	[sflag:s22] =	ssyncadd.s32 s3;
	_ =	sdelay $0x1  }
0xa1: {  	s23 =	simm.s32 $0x1B8B  }
0xa2: {  	_ =	swait.ge [sflag:s23], $0x1  }
0xa3: {  	[sflag:s23] =	ssyncset.done $0x0  }
0xa4: {  	s25 =	simm.s32 $0x1B8E;
	s24 =	sld [smem:$0x3FFE];
	[sflag:s23] =	ssyncadd.s32 $0xFFFFFFFF  }
0xa5: {  	s26 =	simm.s32 $execute0_lowered;
	[smem:$0x3FD2] =	sst s25  }
0xa6: {  	s4 =	sshll.u32 s26, $0x1;
	_ =	strace $0x80000049;
	[dreg:$0x1] =	wrdreg $0xFFFFFFFF  }
0xa7: {  	s28 =	simm.s32 $_size_execute0_lowered;
	s2 =	sadd.s32 s2, s4;
	[dreg:$0x0] =	wrdreg $0x0  }
0xa8: {  	s4 =	sshll.u32 s28, $0x1;
	[dreg:$0x2] =	wrdreg s2  }
0xa9: {  	[dreg:$0x3] =	wrdreg s4  }
0xaa: {  	[dreg:$0x4] =	wrdreg $0xC0  }
0xab: {  	_ =	task [dreg:s6], $0x5FFFF  }
0xac: {  	[dreg:$0x1] =	wrdreg $0xFFFFFFFF  }
0xad: {  	[dreg:$0x0] =	wrdreg $0x60  }
0xae: {  	[dreg:$0x2] =	wrdreg s24  }
0xaf: {  	[dreg:$0x3] =	wrdreg $0xA8000  }
0xb0: {  	[dreg:$0x4] =	wrdreg $0x9  }
0xb1: {  	_ =	task.clear_ibuf [dreg:s6], $0x5FFFF;
	_ =	strace $0x90000049  }
0xb2: {  	s29 =	simm.s32 $0x9;
	_ =	strace $0x8000004B  }
0xb3: {  	_ =	swait.ge [sflag:s29], $0x1  }
0xb4: {  	[sflag:s29] =	ssyncadd.s32 $0xFFFFFFFF  }
0xb5: {  	_ =	strace $0x9000004B  }
0xb6: {  	_ =	sfence  }
0xb7: {  	s30 =	sld [smem:$0x0];
	_ =	sdelay $0x2  }
0xb8: {  	s31 =	sshll.u32 s1, $0xD;
	s1 =	sshrl.u32 s1, $0x2  }
0xb9: {  	s3 =	sand.u32 $0x4000, s31;
	s1 =	sadd.s32 s1, s30  }
0xba: {  	s0 =	sor.u32 s3, s0;
	s1 =	sshll.u32 s1, $0x11  }
0xbb: {  	s0 =	sor.u32 s1, s0  }
0xbc: {  	s0 =	sadd.s32 $0x8F2B, s0  }
0xbd: {  	[sflag:s0] =	ssyncadd.remote.s32 $0x1  }
0xbe: {  	_ =	sfence.sel $0xFFFF  }
0xbf: {  	[dreg:$0x0] =	wrdreg $0xFFFFFFFF;
	(pc) =	sbr.abs _section_cstart, $3  }
0xc0: {  	[dreg:$0x1] =	wrdreg $0xFFFFFFFF  }
0xc1: {  	_ =	task.clear_ibuf [dreg:s6], $0x2FFFF;
	_ =	strace $0x9FFFFFFF  }
0xc2: {  	(tm) =	ssettm $0x7FFFFFFF  }
0xc3: {  	_ =	shalt  }
tec
execute0_lowered:
.L_overlay_start_1:
0x0: {  	(tag) =	ssettag $0x1  }
0x1: {  	s1 =	srdreg.scid;
	s5 =	rddreg [dreg:$0x0]  }
0x2: {  	s0 =	stileid.u32;
	s2 =	rddreg [dreg:$0x1];
	s3 =	simm.s32 $0x0  }
0x3: {  	s14 =	simm.s32 $0x5;
	s15 =	simm.s32 $0x1400;
	s16 =	simm.s32 $0x2800  }
0x4: {  	s17 =	simm.s32 $0x80;
	s18 =	simm.s32 $0x6800;
	s19 =	simm.s32 $0x1  }
0x5: {  	s20 =	simm.s32 $0x2;
	s21 =	simm.s32 $0x3;
	s22 =	simm.s32 $0x4  }
0x6: {  	s23 =	simm.s32 $0x2700;
	s24 =	simm.s32 $0x2780;
	s25 =	simm.s32 $0x0  }
0x7: {  	s4 =	sand.u32 $0x1, s1;
	s1 =	rddreg [dreg:$0x2];
	s7 =	smul.u32 $0x2800, s0  }
0x8: {  	s29 =	sshll.u32 s0, $0x1;
	[smem:$0x7FF] =	sst s3;
	s10 =	smul.u32 $0x50000, s0  }
0x9: {  	s6 =	sor.u32 s4, s29;
	_ =	strace $0x8000004A;
	s8 =	smul.u32 $0x28000, s4  }
0xa: {  	s9 =	ssub.s32 $0x2, s4;
	s4 =	sadd.s32 $0x1B000, s5;
	s6 =	smul.u32 $0x280, s6  }
0xb: {  	s30 =	sshrl.u32 s9, $0x1;
	s31 =	sshrl.u32 s10, $0x2;
	s7 =	sadd.s32 s7, s8  }
0xc: {  	s13 =	ssub.s32 s9, s30;
	s6 =	sadd.s32 s6, s5;
	s12 =	sadd.s32 s7, s5  }
0xd: {  	s7 =	sadd.s32 s31, s2;
	s13 =	smax.u32 s13, $0x1;
	s5 =	sadd.s32 $0x16000, s6  }
0xe: {  	s6 =	sadd.s32 $0x11000, s6;
	s8 =	sadd.s32 $0x4000, s7;
	s9 =	sadd.s32 $0x8000, s7  }
0xf: {  	v0 =	vimm.f32 $0.0e+00;
	s10 =	sadd.s32 $0xC000, s7;
	s11 =	sadd.s32 $0x10000, s7;
	s12 =	sadd.s32 $0x42200, s12  }
.LBB2_1:
0x10: {  	[tilespmem:s3], [sflag:$0x5] =	stream.linear.gather [hbm4b:s5+s3], $0x1400, $0x38;
	[tilespmem:$0x1E800] =	vst v63  }
0x11: {  	_ =	swait.ge [sflag:s14], $0x1400  }
0x12: {  	[sflag:s14] =	ssyncset.done $0x0  }
0x13: {  	[sflag:s14] =	ssyncadd.s32 $0xFFFFEC00  }
0x14: {  	[tilespmem:s15], [sflag:$0x5] =	stream.linear.gather [hbm4b:s6+s3], $0x1400, $0x38;
	[tilespmem:$0x1E800] =	vst v63  }
0x15: {  	_ =	swait.ge [sflag:s14], $0x1400  }
0x16: {  	[sflag:s14] =	ssyncset.done $0x0  }
0x17: {  	s26 =	simm.s32 $0x0;
	s28 =	simm.s32 $0x200;
	[sflag:s14] =	ssyncadd.s32 $0xFFFFEC00  }
.LBB2_2:
0x18: {  	p0 =	sne.s32 s28, $0xFE00;
	[tilespmem:s26+$0x2870] =	vst v0  }
0x19: {  	[tilespmem:s26+$0x2800] =	vst v0  }
0x1a: {  	[tilespmem:s26+$0x2810] =	vst v0  }
.Ltmp0:
0x1b: {  	[tilespmem:s26+$0x2820] =	vst v0;
	(pc) =	sbr.rel @p0 .LBB2_2-.Ltmp0, $4  }
0x1c: {  	[tilespmem:s26+$0x2830] =	vst v0  }
0x1d: {  	[tilespmem:s26+$0x2840] =	vst v0  }
0x1e: {  	[tilespmem:s26+$0x2850] =	vst v0  }
0x1f: {  	[tilespmem:s26+$0x2860] =	vst v0;
	s26 =	sshra.s32 s28, $0x2;
	s28 =	sadd.s32 $0x200, s28  }
0x20: {  	[tilespmem:s26+$0x2870] =	vst v0  }
0x21: {  	[tilespmem:s26+$0x2800] =	vst v0  }
0x22: {  	[tilespmem:s26+$0x2810] =	vst v0  }
0x23: {  	[tilespmem:s26+$0x2820] =	vst v0  }
0x24: {  	[tilespmem:s26+$0x2830] =	vst v0  }
0x25: {  	[tilespmem:s26+$0x2840] =	vst v0  }
0x26: {  	[tilespmem:s26+$0x2850] =	vst v0  }
0x27: {  	[tilespmem:s26+$0x2860] =	vst v0  }
0x28: {  	[spmem:s7] =	stream.linear.scatter [tilespmem:s16], [sflag:$0x5], $0x4000, $0x38;
	[tilespmem:$0x1E800] =	vst v63  }
0x29: {  	_ =	swait.ge [sflag:s14], $0x4000  }
0x2a: {  	[sflag:s14] =	ssyncset.done $0x0  }
0x2b: {  	[sflag:s14] =	ssyncadd.s32 $0xFFFFC000  }
0x2c: {  	[spmem:s8] =	stream.linear.scatter [tilespmem:s16], [sflag:$0x5], $0x4000, $0x38;
	[tilespmem:$0x1E800] =	vst v63  }
0x2d: {  	_ =	swait.ge [sflag:s14], $0x4000  }
0x2e: {  	[sflag:s14] =	ssyncset.done $0x0  }
0x2f: {  	[sflag:s14] =	ssyncadd.s32 $0xFFFFC000  }
0x30: {  	[spmem:s9] =	stream.linear.scatter [tilespmem:s16], [sflag:$0x5], $0x4000, $0x38;
	[tilespmem:$0x1E800] =	vst v63  }
0x31: {  	_ =	swait.ge [sflag:s14], $0x4000  }
0x32: {  	[sflag:s14] =	ssyncset.done $0x0  }
0x33: {  	[sflag:s14] =	ssyncadd.s32 $0xFFFFC000  }
0x34: {  	[spmem:s10] =	stream.linear.scatter [tilespmem:s16], [sflag:$0x5], $0x4000, $0x38;
	[tilespmem:$0x1E800] =	vst v63  }
0x35: {  	_ =	swait.ge [sflag:s14], $0x4000  }
0x36: {  	[sflag:s14] =	ssyncset.done $0x0  }
0x37: {  	[sflag:s14] =	ssyncadd.s32 $0xFFFFC000  }
0x38: {  	[spmem:s11] =	stream.linear.scatter [tilespmem:s16], [sflag:$0x5], $0x4000, $0x38;
	[tilespmem:$0x1E800] =	vst v63  }
0x39: {  	_ =	swait.ge [sflag:s14], $0x4000  }
0x3a: {  	[sflag:s14] =	ssyncset.done $0x0  }
0x3b: {  	[sflag:s14] =	ssyncadd.s32 $0xFFFFC000  }
0x3c: {  	s31 =	simm.s32 $0x0;
	[bflag:$0x0] =	sbarrier.arrive $0xFFFF  }
0x3d: {  	[tilespmem:s16], [sflag:$0x1] =	stream.indirect.gather [hbm4b:s4+s17], $0x80, s31, s17, $0xb8;
	[tilespmem:$0x1E800] =	vst v63  }
0x3e: {  	_ = 	snop  }
0x3f: {  	[tilespmem:s18], [sflag:$0x2] =	stream.indirect.gather [hbm4b:s4+s17], $0x80, s17, s17, $0xb8;
	[tilespmem:$0x1E800] =	vst v63  }
0x40: {  	_ =	swait.ge [sflag:s19], $0x4000  }
0x41: {  	[sflag:s19] =	ssyncset.done $0x0  }
0x42: {  	s29 =	simm.s32 $0x1400;
	[sflag:s19] =	ssyncadd.s32 $0xFFFFC000  }
0x43: {  	[spmem:s2] =	stream.indirect.scatter.add.f32 [tilespmem:s16], [sflag:$0x3], $0x80, s29, s17, $0xb8;
	[tilespmem:$0x1E800] =	vst v63  }
0x44: {  	_ =	swait.ge [sflag:s20], $0x4000  }
0x45: {  	[sflag:s20] =	ssyncset.done $0x0  }
0x46: {  	s30 =	simm.s32 $0x1480;
	[sflag:s20] =	ssyncadd.s32 $0xFFFFC000  }
0x47: {  	[spmem:s2] =	stream.indirect.scatter.add.f32 [tilespmem:s18], [sflag:$0x4], $0x80, s30, s17, $0xb8;
	[tilespmem:$0x1E800] =	vst v63  }
0x48: {  	_ =	swait.ge [sflag:s21], $0x4000  }
0x49: {  	[sflag:s21] =	ssyncset.done $0x0  }
0x4a: {  	s31 =	simm.s32 $0x100;
	[sflag:s21] =	ssyncadd.s32 $0xFFFFC000  }
0x4b: {  	[tilespmem:s16], [sflag:$0x1] =	stream.indirect.gather [hbm4b:s4+s17], $0x80, s31, s17, $0xb8;
	[tilespmem:$0x1E800] =	vst v63  }
0x4c: {  	_ =	swait.ge [sflag:s22], $0x4000  }
0x4d: {  	[sflag:s22] =	ssyncset.done $0x0  }
0x4e: {  	s26 =	simm.s32 $0x400;
	s28 =	simm.s32 $0x180;
	[sflag:s22] =	ssyncadd.s32 $0xFFFFC000  }
.LBB2_4:
0x4f: {  	[tilespmem:s18], [sflag:$0x2] =	stream.indirect.gather [hbm4b:s4+s17], $0x80, s28, s17, $0xb8;
	[tilespmem:$0x1E800] =	vst v63  }
0x50: {  	s28 =	smov.u32 s26  }
0x51: {  	p0 =	sne.s32 s26, $0x4800;
	s26 =	sadd.s32 $0x400, s26;
	_ =	swait.ge [sflag:s19], $0x4000  }
0x52: {  	s28 =	sshra.s32 s28, $0x2;
	[sflag:s19] =	ssyncset.done $0x0  }
0x53: {  	s29 =	sadd.s32 $0x1400, s28;
	[sflag:s19] =	ssyncadd.s32 $0xFFFFC000  }
0x54: {  	[spmem:s2] =	stream.indirect.scatter.add.f32 [tilespmem:s16], [sflag:$0x3], $0x80, s29, s17, $0xb8;
	[tilespmem:$0x1E800] =	vst v63  }
0x55: {  	_ =	swait.ge [sflag:s20], $0x4000  }
0x56: {  	[sflag:s20] =	ssyncset.done $0x0  }
0x57: {  	s29 =	sadd.s32 $0x1480, s28;
	[sflag:s20] =	ssyncadd.s32 $0xFFFFC000  }
0x58: {  	[spmem:s2] =	stream.indirect.scatter.add.f32 [tilespmem:s18], [sflag:$0x4], $0x80, s29, s17, $0xb8;
	[tilespmem:$0x1E800] =	vst v63  }
0x59: {  	_ =	swait.ge [sflag:s21], $0x4000  }
0x5a: {  	[sflag:s21] =	ssyncset.done $0x0  }
.Ltmp1:
0x5b: {  	s29 =	sadd.s32 $0x100, s28;
	[sflag:s21] =	ssyncadd.s32 $0xFFFFC000;
	(pc) =	sbr.rel @p0 .LBB2_4-.Ltmp1, $4  }
0x5c: {  	[tilespmem:s16], [sflag:$0x1] =	stream.indirect.gather [hbm4b:s4+s17], $0x80, s29, s17, $0xb8;
	[tilespmem:$0x1E800] =	vst v63  }
0x5d: {  	_ =	swait.ge [sflag:s22], $0x4000  }
0x5e: {  	[sflag:s22] =	ssyncset.done $0x0  }
0x5f: {  	s28 =	sadd.s32 $0x180, s28;
	[sflag:s22] =	ssyncadd.s32 $0xFFFFC000  }
0x60: {  	[tilespmem:s18], [sflag:$0x2] =	stream.indirect.gather [hbm4b:s4+s17], $0x80, s28, s17, $0xb8;
	[tilespmem:$0x1E800] =	vst v63  }
0x61: {  	_ =	swait.ge [sflag:s19], $0x4000  }
0x62: {  	[sflag:s19] =	ssyncset.done $0x0  }
0x63: {  	[sflag:s19] =	ssyncadd.s32 $0xFFFFC000  }
0x64: {  	[spmem:s2] =	stream.indirect.scatter.add.f32 [tilespmem:s16], [sflag:$0x3], $0x80, s23, s17, $0xb8;
	[tilespmem:$0x1E800] =	vst v63  }
0x65: {  	_ =	swait.ge [sflag:s20], $0x4000  }
0x66: {  	[sflag:s20] =	ssyncset.done $0x0  }
0x67: {  	[sflag:s20] =	ssyncadd.s32 $0xFFFFC000  }
0x68: {  	[spmem:s2] =	stream.indirect.scatter.add.f32 [tilespmem:s18], [sflag:$0x4], $0x80, s24, s17, $0xb8;
	[tilespmem:$0x1E800] =	vst v63  }
0x69: {  	_ =	swait.ge [sflag:s21], $0x4000  }
0x6a: {  	[sflag:s21] =	ssyncset.done $0x0  }
0x6b: {  	[sflag:s21] =	ssyncadd.s32 $0xFFFFC000  }
0x6c: {  	_ =	swait.ge [sflag:s22], $0x4000  }
0x6d: {  	s26 =	sshll.u32 s0, $0x6;
	s25 =	sadd.s32 $0x1, s25;
	[sflag:s22] =	ssyncset.done $0x0  }
0x6e: {  	s31 =	sshrl.u32 s7, $0x3;
	p0 =	sne.s32 s25, s13;
	[sflag:s22] =	ssyncadd.s32 $0xFFFFC000  }
.Ltmp2:
0x6f: {  	s26 =	sor.u32 $0x1C05, s26;
	[bflag:$0x0] =	sbarrier.arrive $0xFFFF;
	(pc) =	sbr.rel @p0 .LBB2_1-.Ltmp2, $4  }
0x70: {  	[hbm:s12], [sflag:s26] =	dma.local [spmem:s31], $0x2800  }
0x71: {  	_ =	swait.ge [sflag:s14], $0x2800  }
0x72: {  	[sflag:s14] =	ssyncset.done $0x0  }
0x73: {  	[sflag:s14] =	ssyncadd.s32 $0xFFFFD800  }
0x74: {  	_ =	sfence.sel $0x180000  }
0x75: {  	[bflag:$0x0] =	sbarrier.arrive $0xFFFF  }
0x76: {  	p0 =	sne.s32 s0, $0x0;
	_ =	strace $0x9000004A  }
0x77: {  	s0 =	sadd.s32 @!p0 $0x100000, s1;
	[bflag:$0x2] =	sbarrier.arrive $0xFFFF  }
0x78: {  	[sflag:s0] =	ssyncadd.tile.s32 @!p0 $0x1;
	_ =	shalt  }
.Lfunc_end2:
_tile_overlayer_lowered:
.L_overlay_start_2:
0x79: {  	(tag) =	ssettag $0x2  }
0x7a: {  	s0 =	rddreg [dreg:$0x0];
	s2 =	stileid.u32  }
0x7b: {  	s1 =	rddreg [dreg:$0x1];
	p0 =	sne.s32 s2, $0x0  }
0x7c: {  	s3 =	rddreg [dreg:$0x2];
	[bflag:$0x3] =	sbarrier.arrive $0xFFFF;
	s2 =	simm.s32 @!p0 $0x1C05  }
0x7d: {  	[timem:s3], [sflag:s2] =	dma.local @!p0 [hbm:s0], s1  }
0x7e: {  	s0 =	simm.s32 @!p0 $0x5  }
0x7f: {  	_ =	swait.ge @!p0 [sflag:s0], s1  }
0x80: {  	s1 =	ssub.s32 @!p0 $0x0, s1;
	[sflag:s0] =	ssyncset.done @!p0 $0x0  }
0x81: {  	[sflag:s0] =	ssyncadd.s32 @!p0 s1  }
0x82: {  	[bflag:$0x3] =	sbarrier.arrive $0xFFFF  }
0x83: {  	_ =	shalt  }

// kernel: kernel.7.cloned.1.call-start
scs
__scs_entry_jumppad:
0x0: {  	(pc) =	sbr.rel $0x88, $3  }
0x1: {  	(tag) =	ssettag $0x0;
	lr =	simm.s32 $0x1  }
0x2: {  	[smem:$0x3F96] =	sst lr;
	_ =	strace $0xD0000000  }
0x3: {  	_ = 	snop  }
0x4: {  	_ = 	snop  }
0x5: {  	_ = 	snop  }
0x6: {  	_ = 	snop  }
0x7: {  	_ = 	snop  }
__scs_overlays_trampoline_lowered:
0x8: {  	[smem:$0x3FA5] =	sst s0  }
0x9: {  	[smem:$0x3FA6] =	sst s1  }
0xa: {  	[smem:$0x3FA7] =	sst s2  }
0xb: {  	[smem:$0x3FA8] =	sst s3  }
0xc: {  	[smem:$0x3FA9] =	sst s4  }
0xd: {  	[smem:$0x3FAA] =	sst s5  }
0xe: {  	[smem:$0x3FAB] =	sst s6  }
0xf: {  	[smem:$0x3FAC] =	sst s7  }
0x10: {  	[smem:$0x3FAD] =	sst s8  }
0x11: {  	[smem:$0x3FAE] =	sst s9;
	s0 =	simm.s32 @!p0 $0x0  }
0x12: {  	s1 =	sld [smem:$0x3F94];
	s0 =	simm.s32 @p0 $0x1  }
0x13: {  	[smem:$0x3FAF] =	sst s0;
	s0 =	simm.s32 @!p1 $0x0  }
0x14: {  	s2 =	sld [smem:$0x3F93];
	s0 =	simm.s32 @p1 $0x1  }
0x15: {  	[smem:$0x3FB0] =	sst s0;
	s0 =	simm.s32 @!p2 $0x0  }
0x16: {  	s3 =	sld [smem:$0x3FDB];
	s0 =	simm.s32 @p2 $0x1  }
0x17: {  	s4 =	simm.s32 $0x1BF5;
	[smem:$0x3FB2] =	sst s0  }
0x18: {  	s0 =	sld [smem:$0x3F95];
	_ =	swait.ge [sflag:s4], $0x0  }
0x19: {  	s7 =	sld [smem:$0x3F96]  }
0x1a: {  	s8 =	sadd.s32 $0xFFFFE003, lr  }
0x1b: {  	s9 =	sadd.s32 $0xFFFFFEF7, lr;
	s5 =	simm.s32 $0xFFFFFFFF;
	p2 =	slt.u32 s8, $0xFFFFF086  }
0x1c: {  	p1 =	slt.u32 s9, $0xF7A;
	s5 =	simm.s32 @!p2 $0x0  }
0x1d: {  	s5 =	simm.s32 @p1 $0x1;
	p0 =	seq.s32 s7, s2  }
0x1e: {  	s7 =	smul.u32 @!p0 $0xF7A, s2;
	p2 =	seq.s32 @!p0 s5, $0x0  }
0x1f: {  	s9 =	smul.u32 $0xF7A, s1;
	s8 =	simm.s32 @!p0 $0x1BF5;
	p2 =	por !p2, p0  }
0x20: {  	[sflag:s8] =	ssyncset.s32 @!p0 $0xFFFFF086;
	s6 =	sadd.s32 @!p0 s3, s7;
	s7 =	simm.s32 @!p0 $0x108  }
0x21: {  	s3 =	sadd.s32 s3, s9;
	s6 =	sadd.s32 @!p0 $0x88, s6;
	s7 =	simm.s32 @p2 $0x1082  }
0x22: {  	[simem:s7], [sflag:s8] =	dma.local @!p0 [hbm:s6], $0xF7A  }
0x23: {  	s9 =	sor.u32 $0xD0000000, s2;
	s6 =	simm.s32 $0x108;
	_ =	swait.ge @!p0 [sflag:s8], $0x0  }
0x24: {  	s3 =	sadd.s32 $0x88, s3;
	s6 =	simm.s32 @!p1 $0x1082;
	[sflag:s4] =	ssyncset.s32 $0xFFFFF086  }
0x25: {  	[simem:s6], [sflag:s4] =	dma.local [hbm:s3], $0xF7A  }
0x26: {  	[smem:$0x3F96] =	sst s1;
	(tag) =	ssettag s2;
	_ =	strace s9  }
0x27: {  	s1 =	sld [smem:$0x3FA6]  }
0x28: {  	s2 =	sld [smem:$0x3FA7]  }
0x29: {  	s4 =	sld [smem:$0x3FA9]  }
0x2a: {  	p0 =	seq.s32 s5, $0x0;
	s5 =	sld [smem:$0x3FAA]  }
0x2b: {  	s6 =	sld [smem:$0x3FAB]  }
0x2c: {  	s7 =	sld [smem:$0x3FAC]  }
0x2d: {  	s3 =	simm.s32 $0x108;
	s8 =	sld [smem:$0x3FAD]  }
0x2e: {  	s3 =	simm.s32 @!p0 $0x1082;
	s9 =	sld [smem:$0x3FAE]  }
0x2f: {  	lr =	sadd.s32 s0, s3;
	s0 =	sld [smem:$0x3FA5]  }
0x30: {  	s3 =	sld [smem:$0x3FA8]  }
0x31: {  	[smem:$0x3FB1] =	sst s10  }
0x32: {  	s10 =	sld [smem:$0x3FAF];
	_ =	sdelay $0x3  }
0x33: {  	p0 =	seq.s32 s10, $0x1;
	s10 =	sld [smem:$0x3FB1];
	_ =	sdelay $0x3  }
0x34: {  	[smem:$0x3FB1] =	sst s10  }
0x35: {  	s10 =	sld [smem:$0x3FB0];
	_ =	sdelay $0x3  }
0x36: {  	p1 =	seq.s32 s10, $0x1;
	s10 =	sld [smem:$0x3FB1];
	_ =	sdelay $0x3  }
0x37: {  	[smem:$0x3FB1] =	sst s10  }
0x38: {  	s10 =	sld [smem:$0x3FB2]  }
0x39: {  	_ = 	snop;
	(pc) =	sbr.ind lr, $3  }
0x3a: {  	_ = 	snop  }
0x3b: {  	_ = 	snop  }
0x3c: {  	p2 =	seq.s32 s10, $0x1;
	s10 =	sld [smem:$0x3FB1]  }
0x3d: {  	_ =	shalt  }
0x3e: {  	_ =	shalt  }
0x3f: {  	_ =	shalt  }
0x40: {  	_ =	shalt  }
0x41: {  	_ =	shalt  }
0x42: {  	_ =	shalt  }
0x43: {  	_ =	shalt  }
0x44: {  	_ =	shalt  }
0x45: {  	_ =	shalt  }
0x46: {  	_ =	shalt  }
0x47: {  	_ =	shalt  }
0x48: {  	_ =	shalt  }
0x49: {  	_ =	shalt  }
0x4a: {  	_ =	shalt  }
0x4b: {  	_ =	shalt  }
0x4c: {  	_ =	shalt  }
0x4d: {  	_ =	shalt  }
0x4e: {  	_ =	shalt  }
0x4f: {  	_ =	shalt  }
0x50: {  	_ =	shalt  }
0x51: {  	_ =	shalt  }
0x52: {  	_ =	shalt  }
0x53: {  	_ =	shalt  }
0x54: {  	_ =	shalt  }
0x55: {  	_ =	shalt  }
0x56: {  	_ =	shalt  }
0x57: {  	_ =	shalt  }
0x58: {  	_ =	shalt  }
0x59: {  	_ =	shalt  }
0x5a: {  	_ =	shalt  }
0x5b: {  	_ =	shalt  }
0x5c: {  	_ =	shalt  }
0x5d: {  	_ =	shalt  }
0x5e: {  	_ =	shalt  }
0x5f: {  	_ =	shalt  }
0x60: {  	_ =	shalt  }
0x61: {  	_ =	shalt  }
0x62: {  	_ =	shalt  }
0x63: {  	_ =	shalt  }
0x64: {  	_ =	shalt  }
0x65: {  	_ =	shalt  }
0x66: {  	_ =	shalt  }
0x67: {  	_ =	shalt  }
0x68: {  	_ =	shalt  }
0x69: {  	_ =	shalt  }
0x6a: {  	_ =	shalt  }
0x6b: {  	_ =	shalt  }
0x6c: {  	_ =	shalt  }
0x6d: {  	_ =	shalt  }
0x6e: {  	_ =	shalt  }
0x6f: {  	_ =	shalt  }
0x70: {  	_ =	shalt  }
0x71: {  	_ =	shalt  }
0x72: {  	_ =	shalt  }
0x73: {  	_ =	shalt  }
0x74: {  	_ =	shalt  }
0x75: {  	_ =	shalt  }
0x76: {  	_ =	shalt  }
0x77: {  	_ =	shalt  }
0x78: {  	_ =	shalt  }
0x79: {  	_ =	shalt  }
0x7a: {  	_ =	shalt  }
0x7b: {  	_ =	shalt  }
0x7c: {  	_ =	shalt  }
0x7d: {  	_ =	shalt  }
0x7e: {  	_ =	shalt  }
0x7f: {  	_ =	shalt  }
0x80: {  	_ =	shalt  }
0x81: {  	_ =	shalt  }
0x82: {  	_ =	shalt  }
0x83: {  	_ =	shalt  }
0x84: {  	_ =	shalt  }
0x85: {  	_ =	shalt  }
0x86: {  	_ =	shalt  }
0x87: {  	_ =	shalt  }
.Lfunc_end0:
.L_simem_size_0:
called_computation_lowered:
.L_overlay_start_0:
0x88: {  	s2 =	sld [smem:$0x3FD9]  }
0x89: {  	s3 =	sld [smem:$0x3FFE];
	_ =	sdelay $0x1  }
0x8a: {  	s1 =	srdreg.scid  }
0x8b: {  	s0 =	sand.u32 $0x1, s1  }
0x8c: {  	s16 =	sshll.u32 s0, $0xA;
	s2 =	sadd.s32 s3, s2  }
0x8d: {  	s2 =	sadd.s32 s2, s16  }
0x8e: {  	[smem:$0x3FBD] =	sst s2  }
0x8f: {  	_ = 	snop  }
0x90: {  	(tm) =	ssettm $0x1  }
0x91: {  	s17 =	sld [smem:$0x3FFB];
	_ =	sdelay $0x3  }
0x92: {  	_ =	strace s17  }
0x93: {  	s2 =	sld [smem:$0x3FFC];
	_ =	sdelay $0x3  }
0x94: {  	_ =	strace s2  }
0x95: {  	s2 =	sld [smem:$0x3FFD];
	_ =	sdelay $0x3  }
0x96: {  	_ =	strace s2  }
0x97: {  	_ =	strace $0x8FFFFFFF  }
0x98: {  	s18 =	sld [smem:$0x3FDB];
	_ =	sdelay $0x1  }
0x99: {  	s19 =	simm.s32 $_scs_section_size  }
0x9a: {  	s4 =	simm.s32 $_size__tile_overlayer_lowered;
	s5 =	simm.s32 $_tile_overlayer_lowered  }
0x9b: {  	s22 =	simm.s32 $0x1BFF;
	s21 =	sshll.u32 s5, $0x1;
	s2 =	sadd.s32 s19, s18  }
0x9c: {  	s6 =	simm.s32 $0x0;
	s20 =	sshll.u32 s4, $0x1;
	s4 =	sadd.s32 s21, s2  }
0x9d: {  	[timem:s6], [sflag:s22] =	dma.local [hbm:s4], s20  }
0x9e: {  	_ =	swait.ge [sflag:s22], s20  }
0x9f: {  	s3 =	ssub.s32 $0x0, s20;
	[sflag:s22] =	ssyncset.done $0x0  }
0xa0: {  	[sflag:s22] =	ssyncadd.s32 s3;
	_ =	sdelay $0x1  }
0xa1: {  	s23 =	simm.s32 $0x1B8B  }
0xa2: {  	_ =	swait.ge [sflag:s23], $0x1  }
0xa3: {  	[sflag:s23] =	ssyncset.done $0x0  }
0xa4: {  	s25 =	simm.s32 $0x1B8E;
	s24 =	sld [smem:$0x3FFE];
	[sflag:s23] =	ssyncadd.s32 $0xFFFFFFFF  }
0xa5: {  	s26 =	simm.s32 $execute0_lowered;
	[smem:$0x3FD2] =	sst s25  }
0xa6: {  	s4 =	sshll.u32 s26, $0x1;
	_ =	strace $0x80000046;
	[dreg:$0x1] =	wrdreg $0xFFFFFFFF  }
0xa7: {  	s28 =	simm.s32 $_size_execute0_lowered;
	s2 =	sadd.s32 s2, s4;
	[dreg:$0x0] =	wrdreg $0x0  }
0xa8: {  	s4 =	sshll.u32 s28, $0x1;
	[dreg:$0x2] =	wrdreg s2  }
0xa9: {  	[dreg:$0x3] =	wrdreg s4  }
0xaa: {  	[dreg:$0x4] =	wrdreg $0xC0  }
0xab: {  	_ =	task [dreg:s6], $0x5FFFF  }
0xac: {  	[dreg:$0x1] =	wrdreg $0xFFFFFFFF  }
0xad: {  	[dreg:$0x0] =	wrdreg $0x60  }
0xae: {  	[dreg:$0x2] =	wrdreg s24  }
0xaf: {  	[dreg:$0x3] =	wrdreg $0x9  }
0xb0: {  	_ =	task.clear_ibuf [dreg:s6], $0x4FFFF;
	_ =	strace $0x90000046  }
0xb1: {  	s29 =	simm.s32 $0x9;
	_ =	strace $0x80000048  }
0xb2: {  	_ =	swait.ge [sflag:s29], $0x1  }
0xb3: {  	[sflag:s29] =	ssyncadd.s32 $0xFFFFFFFF  }
0xb4: {  	_ =	strace $0x90000048  }
0xb5: {  	_ =	sfence  }
0xb6: {  	s30 =	sld [smem:$0x0];
	_ =	sdelay $0x2  }
0xb7: {  	s31 =	sshll.u32 s1, $0xD;
	s1 =	sshrl.u32 s1, $0x2  }
0xb8: {  	s3 =	sand.u32 $0x4000, s31;
	s1 =	sadd.s32 s1, s30  }
0xb9: {  	s0 =	sor.u32 s3, s0;
	s1 =	sshll.u32 s1, $0x11  }
0xba: {  	s0 =	sor.u32 s1, s0  }
0xbb: {  	s0 =	sadd.s32 $0x8F2B, s0  }
0xbc: {  	[sflag:s0] =	ssyncadd.remote.s32 $0x1  }
0xbd: {  	_ =	sfence.sel $0xFFFF  }
0xbe: {  	[dreg:$0x0] =	wrdreg $0xFFFFFFFF;
	(pc) =	sbr.abs _section_cstart, $3  }
0xbf: {  	[dreg:$0x1] =	wrdreg $0xFFFFFFFF  }
0xc0: {  	_ =	task.clear_ibuf [dreg:s6], $0x2FFFF;
	_ =	strace $0x9FFFFFFF  }
0xc1: {  	(tm) =	ssettm $0x7FFFFFFF  }
tec
execute0_lowered:
.L_overlay_start_1:
0x0: {  	(tag) =	ssettag $0x1  }
0x1: {  	s3 =	rddreg [dreg:$0x0]  }
0x2: {  	s0 =	rddreg [dreg:$0x1]  }
0x3: {  	s1 =	stileid.u32;
	s2 =	simm.s32 $0x0;
	s4 =	srdreg.scid  }
0x4: {  	s9 =	simm.s32 $0x1400;
	s10 =	simm.s32 $0x0;
	s5 =	sshrl.u32 s1, $0x2  }
0x5: {  	s4 =	sand.u32 $0x1, s4;
	s6 =	sshll.u32 s1, $0x8;
	[smem:$0x7FF] =	sst s2  }
0x6: {  	s7 =	smul.u32 $0xA000, s5;
	s8 =	sshll.u32 s4, $0x7;
	s6 =	sand.u32 $0x300, s6  }
0x7: {  	s5 =	smul.u32 $0x13C00, s5;
	s4 =	ssub.s32 $0x2, s4;
	s6 =	sor.u32 s8, s6  }
0x8: {  	_ =	strace $0x80000047;
	s30 =	sshrl.u32 s4, $0x1;
	s7 =	sor.u32 s7, s6  }
0x9: {  	s8 =	simm.s32 $0x1;
	s5 =	sor.u32 s5, s6;
	s29 =	sshrl.u32 s7, $0x3  }
0xa: {  	s31 =	ssub.s32 s4, s30;
	s5 =	sshrl.u32 s5, $0x3;
	s6 =	sadd.s32 s29, s3  }
0xb: {  	s7 =	simm.s32 $0x400;
	s5 =	sadd.s32 s5, s3;
	s3 =	sadd.s32 $0x2200, s6  }
0xc: {  	v0 =	vimm.f32 $0.0e+00;
	v1 =	vimm.f32 $1.000000000e+00;
	s4 =	sadd.s32 $0x7200, s5;
	s5 =	smax.u32 s31, $0x1;
	s6 =	simm.s32 $0x80  }
.LBB2_1:
0xd: {  	[tilespmem:s2], [sflag:$0x1] =	stream.strided.gather [hbm4b:s3+s6], $0x1400, s7, s6, $0x38;
	[tilespmem:$0x3B80] =	vst v63  }
0xe: {  	_ =	swait.ge [sflag:s8], $0x1400  }
0xf: {  	[sflag:s8] =	ssyncset.done $0x0  }
0x10: {  	s11 =	simm.s32 $0x0;
	[sflag:s8] =	ssyncadd.s32 $0xFFFFEC00  }
.LBB2_2:
0x11: {  	p0 =	sne.s32 s11, $0x9C40  }
.Ltmp0:
0x12: {  	_ = 	snop;
	(pc) =	sbr.rel @p0 .LBB2_2-.Ltmp0, $3  }
0x13: {  	_ =	sdelay $0x1  }
0x14: {  	s12 =	sshra.s32 s11, $0x2  }
0x15: {  	s11 =	sadd.s32 $0x40, s11;
	[tilespmem:s12+$0x1400] =	vst v0  }
0x16: {  	s12 =	simm.s32 $0x0;
	s11 =	simm.s32 $0x40  }
.LBB2_4:
0x17: {  	p0 =	sne.s32 s11, $0x4E00;
	v2 =	vld [tilespmem:s12+$0x0];
	_ =	sdelay $0x3  }
.Ltmp1:
0x18: {  	(pc) =	sbr.rel @p0 .LBB2_4-.Ltmp1, $2  }
0x19: {  	_ =	sdelay $0x2  }
0x1a: {  	s12 =	sshra.s32 s11, $0x2;
	s11 =	sadd.s32 $0x40, s11;
	[tilespmem:v2+s9+$0x0] =	vst.idx.add.f32.msk $0xffff, v1  }
0x1b: {  	v2 =	vld [tilespmem:s12+$0x0];
	_ =	sdelay $0x5  }
0x1c: {  	s10 =	sadd.s32 $0x1, s10  }
0x1d: {  	p0 =	sne.s32 s10, s5  }
.Ltmp2:
0x1e: {  	[tilespmem:v2+s9+$0x0] =	vst.idx.add.f32.msk $0xffff, v1;
	(pc) =	sbr.rel @p0 .LBB2_1-.Ltmp2, $4  }
0x1f: {  	[hbm4b:s4+s6] =	stream.strided.scatter [tilespmem:s9], [sflag:$0x1], $0x2780, s7, s6, $0x38;
	[tilespmem:$0x3B80] =	vst v63  }
0x20: {  	_ =	swait.ge [sflag:s8], $0x2780  }
0x21: {  	[sflag:s8] =	ssyncset.done $0x0  }
0x22: {  	[sflag:s8] =	ssyncadd.s32 $0xFFFFD880  }
0x23: {  	_ =	sfence.sel $0x180000  }
0x24: {  	[bflag:$0x0] =	sbarrier.arrive $0xFFFF  }
0x25: {  	p0 =	sne.s32 s1, $0x0;
	_ =	strace $0x90000047  }
0x26: {  	s0 =	sadd.s32 @!p0 $0x100000, s0;
	[bflag:$0x2] =	sbarrier.arrive $0xFFFF  }
0x27: {  	[sflag:s0] =	ssyncadd.tile.s32 @!p0 $0x1;
	_ =	shalt  }
.Lfunc_end2:
_tile_overlayer_lowered:
.L_overlay_start_2:
0x28: {  	(tag) =	ssettag $0x2  }
0x29: {  	s0 =	rddreg [dreg:$0x0];
	s2 =	stileid.u32  }
0x2a: {  	s1 =	rddreg [dreg:$0x1];
	p0 =	sne.s32 s2, $0x0  }
0x2b: {  	s3 =	rddreg [dreg:$0x2];
	[bflag:$0x3] =	sbarrier.arrive $0xFFFF;
	s2 =	simm.s32 @!p0 $0x1C01  }
0x2c: {  	[timem:s3], [sflag:s2] =	dma.local @!p0 [hbm:s0], s1  }
0x2d: {  	s0 =	simm.s32 @!p0 $0x1  }
0x2e: {  	_ =	swait.ge @!p0 [sflag:s0], s1  }
0x2f: {  	s1 =	ssub.s32 @!p0 $0x0, s1;
	[sflag:s0] =	ssyncset.done @!p0 $0x0  }
0x30: {  	[sflag:s0] =	ssyncadd.s32 @!p0 s1  }
0x31: {  	[bflag:$0x3] =	sbarrier.arrive $0xFFFF  }
0x32: {  	_ =	shalt  }

</sc_bundles>
